<compile_context>
chip_gen: v7x
topology: tpu7x:2x2x1
jax: 0.10.2.dev20260603
libtpu: 0.0.44.dev20260713+nightly
codegen_flags: <defaults>
</compile_context>

<pallas_src>
import functools

import jax
import jax.numpy as jnp
from jax import lax
from jax.experimental import pallas as pl
from jax.experimental.pallas import tpu as pltpu
from jax.experimental.pallas import tpu_sc as plsc

N_NODES = 5000
OUT = 128
FEAT = 16
E_TOTAL = 320000

L = 16
NC, NS = 2, 16
NW = NC * NS
EPW = E_TOTAL // NW
W = 80
N_WIN = EPW // W
AD = 16
FW = OUT + L


def _proj_body(origin_ref, neighbor_ref, wo_ref, wn_ref,
               wa_ref, z2_ref, asT_ref, adT_ref):
    wa_s = wa_ref[0, 0:OUT]
    wa_d = wa_ref[0, OUT:2 * OUT]
    dn = (((1,), (1,)), ((), ()))
    z2 = lax.dot_general(neighbor_ref[...], wn_ref[...], dn,
                         preferred_element_type=jnp.float32)
    z2_ref[...] = z2
    asrc = z2 @ wa_s
    asT_ref[...] = jnp.broadcast_to(asrc[:, None], (N_NODES, L))
    v_d = lax.dot_general(wa_d, wo_ref[...], (((0,), (0,)), ((), ())),
                          preferred_element_type=jnp.float32)
    adst = origin_ref[...] @ v_d
    adT_ref[...] = jnp.broadcast_to(adst[:, None], (N_NODES, AD))


_tc_proj = pl.pallas_call(
    _proj_body,
    out_shape=(
        jax.ShapeDtypeStruct((N_NODES, OUT), jnp.float32),
        jax.ShapeDtypeStruct((N_NODES, L), jnp.float32),
        jax.ShapeDtypeStruct((N_NODES, AD), jnp.float32),
    ),
)


E_BLK = 8192
E_PAD = 40 * E_BLK


def _af_body(tfidf_ref, wf_ref, wa_ref, afeat_ref):
    wa_f = wa_ref[0, 2 * OUT:3 * OUT]
    w3 = lax.dot_general(wa_f, wf_ref[...], (((0,), (0,)), ((), ())),
                         preferred_element_type=jnp.float32)
    afeat_ref[...] = jnp.sum(tfidf_ref[...] * w3[None, :], axis=1)


_tc_afeat = pl.pallas_call(
    _af_body,
    grid=(E_PAD // E_BLK,),
    in_specs=[
        pl.BlockSpec((E_BLK, FEAT), lambda i: (i, 0)),
        pl.BlockSpec((OUT, FEAT), lambda i: (0, 0)),
        pl.BlockSpec((1, 3 * OUT), lambda i: (0, 0)),
    ],
    out_specs=pl.BlockSpec((E_BLK,), lambda i: (i,)),
    out_shape=jax.ShapeDtypeStruct((E_PAD,), jnp.float32),
)


def _sc_body(src_hbm, dst_hbm, af_hbm, zs_hbm, adT_hbm,
             zn_hbm,
             num_hbm,
             src_w0, dst_w0, af_w0, st_ad0, st_z0,
             src_w1, dst_w1, af_w1, st_ad1, st_z1,
             num_sh,
             sza, szb, saa, sab):
    cid = lax.axis_index("c")
    sid = lax.axis_index("s")
    wid = sid * NC + cid

    @pl.when(sid == 0)
    def _():
        pltpu.sync_copy(zn_hbm, num_sh)

    plsc.subcore_barrier()

    ebase = wid * EPW

    def issue(w, src_w, dst_w, af_w, st_ad, st_z, sz, sa):
        base = ebase + w * W
        pltpu.sync_copy(src_hbm.at[pl.ds(base, W)], src_w)
        pltpu.sync_copy(dst_hbm.at[pl.ds(base, W)], dst_w)
        pltpu.sync_copy(af_hbm.at[pl.ds(base, W)], af_w.at[pl.ds(0, W)])
        pltpu.async_copy(zs_hbm.at[src_w], st_z, sz)
        pltpu.async_copy(adT_hbm.at[dst_w], st_ad, sa)

    def work(src_w, dst_w, af_w, st_ad, st_z, sz, sa):
        pltpu.make_async_copy(zs_hbm.at[src_w], st_z, sz).wait()
        pltpu.make_async_copy(adT_hbm.at[dst_w], st_ad, sa).wait()

        @plsc.parallel_loop(0, W, unroll=8)
        def edge_body(k):
            va = st_z[k, pl.ds(OUT, L)]
            vd = st_ad[k]
            vf = af_w[pl.ds(k, L)]
            e = va + vd + vf[0]
            e = jnp.where(e > 0, e, e * jnp.float32(0.01))
            sv = jnp.exp(e)
            for j in range(OUT // L):
                sl = pl.ds(j * L, L)
                st_z[k, sl] = st_z[k, sl] * sv
            st_z[k, pl.ds(OUT, L)] = sv
        pltpu.sync_copy(st_z, num_sh.at[dst_w], add=True)

    issue(0, src_w0, dst_w0, af_w0, st_ad0, st_z0, sza, saa)

    def window_body(w, carry):
        @pl.when(w % 2 == 0)
        def _():
            @pl.when(w + 1 < N_WIN)
            def _():
                issue(w + 1, src_w1, dst_w1, af_w1, st_ad1, st_z1, szb, sab)
            work(src_w0, dst_w0, af_w0, st_ad0, st_z0, sza, saa)

        @pl.when(w % 2 == 1)
        def _():
            @pl.when(w + 1 < N_WIN)
            def _():
                issue(w + 1, src_w0, dst_w0, af_w0, st_ad0, st_z0, sza, saa)
            work(src_w1, dst_w1, af_w1, st_ad1, st_z1, szb, sab)

        return carry

    lax.fori_loop(0, N_WIN, window_body, 0)

    plsc.subcore_barrier()

    @pl.when(sid == 0)
    def _():
        pltpu.sync_copy(num_sh, num_hbm.at[cid])


_sc_edge = functools.partial(
    pl.kernel,
    out_type=(
        jax.ShapeDtypeStruct((NC, N_NODES, FW), jnp.float32),
    ),
    mesh=plsc.VectorSubcoreMesh(core_axis_name="c", subcore_axis_name="s"),
    compiler_params=pltpu.CompilerParams(use_tc_tiling_on_sc=False),
    scratch_types=[
        pltpu.VMEM((W,), jnp.int32),
        pltpu.VMEM((W,), jnp.int32),
        pltpu.VMEM((W + L,), jnp.float32),
        pltpu.VMEM((W, AD), jnp.float32),
        pltpu.VMEM((W, FW), jnp.float32),
        pltpu.VMEM((W,), jnp.int32),
        pltpu.VMEM((W,), jnp.int32),
        pltpu.VMEM((W + L,), jnp.float32),
        pltpu.VMEM((W, AD), jnp.float32),
        pltpu.VMEM((W, FW), jnp.float32),
        pltpu.VMEM_SHARED((N_NODES, FW), jnp.float32),
        pltpu.SemaphoreType.DMA,
        pltpu.SemaphoreType.DMA,
        pltpu.SemaphoreType.DMA,
        pltpu.SemaphoreType.DMA,
    ],
)(_sc_body)


def _combine_body(num_ref, out_ref):
    n = num_ref[0, :, 0:OUT] + num_ref[1, :, 0:OUT]
    d = num_ref[0, :, OUT] + num_ref[1, :, OUT]
    d = jnp.where(d > 0, d, jnp.float32(1.0))
    out_ref[...] = n / d[:, None]


_tc_combine = pl.pallas_call(
    _combine_body,
    out_shape=jax.ShapeDtypeStruct((N_NODES, OUT), jnp.float32),
)


def kernel(origin, neighbor, edge_index, tfidfembed, W_o, W_n, W_feat, W_attn):
    src = edge_index[0]
    dst = edge_index[1]
    z2, asT, adT = _tc_proj(origin, neighbor, W_o, W_n, W_attn)
    zs = jnp.concatenate([z2, asT], axis=1)
    tfp = jnp.pad(tfidfembed, ((0, E_PAD - E_TOTAL), (0, 0)))
    afeat = _tc_afeat(tfp, W_feat, W_attn)[:E_TOTAL]
    zn = jnp.zeros((N_NODES, FW), jnp.float32)
    (num,) = _sc_edge(src, dst, afeat, zs, adT, zn)
    return _tc_combine(num)

# --- scband reference (transcript-rebuilt; emitter-appended) ---
"""Pipeline reference for scband-esgatlayer-8735963480442 (READ-ONLY COPY).

The authoritative reference and input builder live on the scoring server;
editing this copy changes nothing except your own understanding.
"""

import jax, jax.numpy as jnp
import numpy as np

N_S = 5000   # sentence (dst) nodes, unit==1
N_E = 5000   # entity (src) nodes, unit==0
E = 320000
IN_DIM = 128
OUT_DIM = 128
FEAT = 16


def setup_inputs(seed: int = 0) -> dict:
    key = jax.random.key(seed)
    ks = jax.random.split(key, 8)
    origin = jax.random.normal(ks[0], (N_S, IN_DIM), dtype=jnp.float32)
    neighbor = jax.random.normal(ks[1], (N_E, IN_DIM), dtype=jnp.float32)
    edge_index = jax.random.randint(ks[2], (2, E), 0, N_E, dtype=jnp.int32)
    tfidfembed = jax.random.normal(ks[3], (E, FEAT), dtype=jnp.float32)
    W_o = jax.random.normal(ks[4], (OUT_DIM, IN_DIM), dtype=jnp.float32) * (1.0 / np.sqrt(IN_DIM))
    W_n = jax.random.normal(ks[5], (OUT_DIM, IN_DIM), dtype=jnp.float32) * (1.0 / np.sqrt(IN_DIM))
    W_feat = jax.random.normal(ks[6], (OUT_DIM, FEAT), dtype=jnp.float32) * (1.0 / np.sqrt(FEAT))
    W_attn = jax.random.normal(ks[7], (1, 3 * OUT_DIM), dtype=jnp.float32) * (1.0 / np.sqrt(3 * OUT_DIM))
    return {"origin": origin, "neighbor": neighbor, "edge_index": edge_index,
            "tfidfembed": tfidfembed, "W_o": W_o, "W_n": W_n, "W_feat": W_feat, "W_attn": W_attn}


def reference(origin, neighbor, edge_index, tfidfembed, W_o, W_n, W_feat, W_attn):
    # z1: projected sentence (dst/origin) features; z2: projected entity (src/neighbor) features
    z1 = origin @ W_o.T           # [N_S, OUT]
    z2 = neighbor @ W_n.T         # [N_E, OUT]
    src = edge_index[0]           # entity node ids (unit==0)
    dst = edge_index[1]           # sentence node ids (unit==1)
    # edge_attention
    dfeat = tfidfembed @ W_feat.T                    # [E, OUT]
    z_src = jnp.take(z2, src, axis=0)                # edges.src['z']
    z_dst = jnp.take(z1, dst, axis=0)                # edges.dst['z']
    z3 = jnp.concatenate([z_src, z_dst, dfeat], axis=1)   # [E, 3*OUT]
    e = jax.nn.leaky_relu(z3 @ W_attn.T, negative_slope=0.01)[:, 0]  # [E]
    # reduce_func: softmax over incoming edges per dst node, then weighted sum of src z
    emax = jax.ops.segment_max(e, dst, num_segments=N_S)
    emax = jnp.where(jnp.isfinite(emax), emax, 0.0)
    ex = jnp.exp(e - jnp.take(emax, dst, axis=0))
    denom = jax.ops.segment_sum(ex, dst, num_segments=N_S)
    denom = jnp.where(denom > 0, denom, 1.0)
    alpha = ex / jnp.take(denom, dst, axis=0)        # [E]
    h = jax.ops.segment_sum(alpha[:, None] * z_src, dst, num_segments=N_S)  # [N_S, OUT]
    return h

if __name__ == "__main__":
    import jax
    _d = setup_inputs()
    print(jax.jit(kernel)(*tuple(_d.values())))

</pallas_src>

<mosaic_0001>
#map = affine_map<(d0, d1) -> (0)>
#map1 = affine_map<(d0, d1) -> (0, 0)>
#map2 = affine_map<(d0, d1) -> (0, 0, 0)>
module attributes {stable_mosaic.version = 14 : i64} {
  func.func @_sc_body(%arg0: i32, %arg1: i32, %arg2: memref<320000xi32, #tpu.memory_space<hbm>>, %arg3: memref<320000xi32, #tpu.memory_space<hbm>>, %arg4: memref<320000xf32, #tpu.memory_space<hbm>>, %arg5: memref<5000x144xf32, #tpu.memory_space<hbm>>, %arg6: memref<5000x16xf32, #tpu.memory_space<hbm>>, %arg7: memref<5000x144xf32, #tpu.memory_space<hbm>>, %arg8: memref<2x5000x144xf32, #tpu.memory_space<hbm>>, %arg9: memref<80xi32, #tpu.memory_space<vmem>>, %arg10: memref<80xi32, #tpu.memory_space<vmem>>, %arg11: memref<96xf32, #tpu.memory_space<vmem>>, %arg12: memref<80x16xf32, #tpu.memory_space<vmem>>, %arg13: memref<80x144xf32, #tpu.memory_space<vmem>>, %arg14: memref<80xi32, #tpu.memory_space<vmem>>, %arg15: memref<80xi32, #tpu.memory_space<vmem>>, %arg16: memref<96xf32, #tpu.memory_space<vmem>>, %arg17: memref<80x16xf32, #tpu.memory_space<vmem>>, %arg18: memref<80x144xf32, #tpu.memory_space<vmem>>, %arg19: memref<5000x144xf32, #tpu.memory_space<vmem_shared>>, %arg20: memref<!tpu.dma_semaphore, #tpu.memory_space<semaphore_mem>>, %arg21: memref<!tpu.dma_semaphore, #tpu.memory_space<semaphore_mem>>, %arg22: memref<!tpu.dma_semaphore, #tpu.memory_space<semaphore_mem>>, %arg23: memref<!tpu.dma_semaphore, #tpu.memory_space<semaphore_mem>>) attributes {dimension_semantics = [#tpu.dimension_semantics<core_parallel>, #tpu.dimension_semantics<subcore_parallel>], iteration_bounds = array<i64: 2, 16>, scalar_prefetch = 0 : i64, scratch_operands = 15 : i64, tpu.core_type = #tpu.core_type<sc_vector_subcore>, window_params = [{transform_indices = #map}, {transform_indices = #map}, {transform_indices = #map}, {transform_indices = #map1}, {transform_indices = #map1}, {transform_indices = #map1}, {transform_indices = #map2}]} {
    %mul3A = arith.constant 2 : i32
    %mul3A_0 = arith.muli %arg1, %mul3A : i32
    %add3A = arith.addi %mul3A_0, %arg0 : i32
    %eq3A = arith.constant 0 : i32
    %eq3A_1 = arith.cmpi eq, %arg1, %eq3A : i32
    %convert_element_type3A = arith.extui %eq3A_1 : i1 to i32
    %cond3A = arith.constant 0 : i32
    %cond3A_2 = arith.cmpi ne, %convert_element_type3A, %cond3A : i32
    scf.if %cond3A_2 {
      "tpu.region"() ({
        %run_scoped3A = tpu.sem_alloc : memref<!tpu.dma_semaphore, #tpu.memory_space<semaphore_mem>>
        tpu.enqueue_dma source(%arg7 : memref<5000x144xf32, #tpu.memory_space<hbm>>) target(%arg19 : memref<5000x144xf32, #tpu.memory_space<vmem_shared>>) target_semaphore(%run_scoped3A : memref<!tpu.dma_semaphore, #tpu.memory_space<semaphore_mem>>)
        tpu.wait_dma2 semaphore(%run_scoped3A : memref<!tpu.dma_semaphore, #tpu.memory_space<semaphore_mem>>) src(%arg7 : memref<5000x144xf32, #tpu.memory_space<hbm>>) dst(%arg19 : memref<5000x144xf32, #tpu.memory_space<vmem_shared>>)
        tpu.yield
      }) : () -> ()
    } else {
    }
    %barrier3A = arith.constant 0 : index
    tpu.barrier barrier_id(%barrier3A)
    %mul3A_3 = arith.constant 10000 : i32
    %mul3A_4 = arith.muli %add3A, %mul3A_3 : i32
    %add3A_5 = arith.constant 0 : i32
    %add3A_6 = arith.addi %mul3A_4, %add3A_5 : i32
    "tpu.region"() ({
      %run_scoped3A = tpu.sem_alloc : memref<!tpu.dma_semaphore, #tpu.memory_space<semaphore_mem>>
      %dma_start3A_23 = tpu.memref_slice %arg2[%add3A_6] : memref<320000xi32, #tpu.memory_space<hbm>> -> memref<80xi32, #tpu.memory_space<hbm>>
      %dma_start3A_24 = tpu.memref_slice %arg2[%add3A_6] : memref<320000xi32, #tpu.memory_space<hbm>> -> memref<80xi32, #tpu.memory_space<hbm>>
      tpu.enqueue_dma source(%dma_start3A_24 : memref<80xi32, #tpu.memory_space<hbm>>) target(%arg9 : memref<80xi32, #tpu.memory_space<vmem>>) target_semaphore(%run_scoped3A : memref<!tpu.dma_semaphore, #tpu.memory_space<semaphore_mem>>)
      %dma_wait3A = tpu.memref_slice %arg2[%add3A_6] : memref<320000xi32, #tpu.memory_space<hbm>> -> memref<80xi32, #tpu.memory_space<hbm>>
      %dma_wait3A_25 = tpu.memref_slice %arg2[%add3A_6] : memref<320000xi32, #tpu.memory_space<hbm>> -> memref<80xi32, #tpu.memory_space<hbm>>
      tpu.wait_dma2 semaphore(%run_scoped3A : memref<!tpu.dma_semaphore, #tpu.memory_space<semaphore_mem>>) src(%dma_wait3A_25 : memref<80xi32, #tpu.memory_space<hbm>>) dst(%arg9 : memref<80xi32, #tpu.memory_space<vmem>>)
      tpu.yield
    }) : () -> ()
    "tpu.region"() ({
      %run_scoped3A = tpu.sem_alloc : memref<!tpu.dma_semaphore, #tpu.memory_space<semaphore_mem>>
      %dma_start3A_23 = tpu.memref_slice %arg3[%add3A_6] : memref<320000xi32, #tpu.memory_space<hbm>> -> memref<80xi32, #tpu.memory_space<hbm>>
      %dma_start3A_24 = tpu.memref_slice %arg3[%add3A_6] : memref<320000xi32, #tpu.memory_space<hbm>> -> memref<80xi32, #tpu.memory_space<hbm>>
      tpu.enqueue_dma source(%dma_start3A_24 : memref<80xi32, #tpu.memory_space<hbm>>) target(%arg10 : memref<80xi32, #tpu.memory_space<vmem>>) target_semaphore(%run_scoped3A : memref<!tpu.dma_semaphore, #tpu.memory_space<semaphore_mem>>)
      %dma_wait3A = tpu.memref_slice %arg3[%add3A_6] : memref<320000xi32, #tpu.memory_space<hbm>> -> memref<80xi32, #tpu.memory_space<hbm>>
      %dma_wait3A_25 = tpu.memref_slice %arg3[%add3A_6] : memref<320000xi32, #tpu.memory_space<hbm>> -> memref<80xi32, #tpu.memory_space<hbm>>
      tpu.wait_dma2 semaphore(%run_scoped3A : memref<!tpu.dma_semaphore, #tpu.memory_space<semaphore_mem>>) src(%dma_wait3A_25 : memref<80xi32, #tpu.memory_space<hbm>>) dst(%arg10 : memref<80xi32, #tpu.memory_space<vmem>>)
      tpu.yield
    }) : () -> ()
    "tpu.region"() ({
      %run_scoped3A = tpu.sem_alloc : memref<!tpu.dma_semaphore, #tpu.memory_space<semaphore_mem>>
      %dma_start3A_23 = arith.constant 0 : i32
      %dma_start3A_24 = tpu.memref_slice %arg11[%dma_start3A_23] : memref<96xf32, #tpu.memory_space<vmem>> -> memref<80xf32, #tpu.memory_space<vmem>>
      %dma_start3A_25 = tpu.memref_slice %arg4[%add3A_6] : memref<320000xf32, #tpu.memory_space<hbm>> -> memref<80xf32, #tpu.memory_space<hbm>>
      %dma_start3A_26 = arith.constant 0 : i32
      %dma_start3A_27 = tpu.memref_slice %arg11[%dma_start3A_26] : memref<96xf32, #tpu.memory_space<vmem>> -> memref<80xf32, #tpu.memory_space<vmem>>
      %dma_start3A_28 = tpu.memref_slice %arg4[%add3A_6] : memref<320000xf32, #tpu.memory_space<hbm>> -> memref<80xf32, #tpu.memory_space<hbm>>
      tpu.enqueue_dma source(%dma_start3A_28 : memref<80xf32, #tpu.memory_space<hbm>>) target(%dma_start3A_27 : memref<80xf32, #tpu.memory_space<vmem>>) target_semaphore(%run_scoped3A : memref<!tpu.dma_semaphore, #tpu.memory_space<semaphore_mem>>)
      %dma_wait3A = arith.constant 0 : i32
      %dma_wait3A_29 = tpu.memref_slice %arg11[%dma_wait3A] : memref<96xf32, #tpu.memory_space<vmem>> -> memref<80xf32, #tpu.memory_space<vmem>>
      %dma_wait3A_30 = tpu.memref_slice %arg4[%add3A_6] : memref<320000xf32, #tpu.memory_space<hbm>> -> memref<80xf32, #tpu.memory_space<hbm>>
      %dma_wait3A_31 = arith.constant 0 : i32
      %dma_wait3A_32 = tpu.memref_slice %arg11[%dma_wait3A_31] : memref<96xf32, #tpu.memory_space<vmem>> -> memref<80xf32, #tpu.memory_space<vmem>>
      %dma_wait3A_33 = tpu.memref_slice %arg4[%add3A_6] : memref<320000xf32, #tpu.memory_space<hbm>> -> memref<80xf32, #tpu.memory_space<hbm>>
      tpu.wait_dma2 semaphore(%run_scoped3A : memref<!tpu.dma_semaphore, #tpu.memory_space<semaphore_mem>>) src(%dma_wait3A_33 : memref<80xf32, #tpu.memory_space<hbm>>) dst(%dma_wait3A_32 : memref<80xf32, #tpu.memory_space<vmem>>)
      tpu.yield
    }) : () -> ()
    %dma_start3A = arith.constant 0 : i32
    %dma_start3A_7 = arith.constant 0 : i32
    %dma_start3A_8 = tpu.memref_slice %arg5[%dma_start3A, %dma_start3A_7] : memref<5000x144xf32, #tpu.memory_space<hbm>> -> memref<5000x144xf32, #tpu.memory_space<hbm>>
    tpu.enqueue_indirect_dma source(%dma_start3A_8 : memref<5000x144xf32, #tpu.memory_space<hbm>>) target(%arg13 : memref<80x144xf32, #tpu.memory_space<vmem>>) offsets(%arg9 : memref<80xi32, #tpu.memory_space<vmem>>) semaphore(%arg20 : memref<!tpu.dma_semaphore, #tpu.memory_space<semaphore_mem>>)
    %dma_start3A_9 = arith.constant 0 : i32
    %dma_start3A_10 = arith.constant 0 : i32
    %dma_start3A_11 = tpu.memref_slice %arg6[%dma_start3A_9, %dma_start3A_10] : memref<5000x16xf32, #tpu.memory_space<hbm>> -> memref<5000x16xf32, #tpu.memory_space<hbm>>
    tpu.enqueue_indirect_dma source(%dma_start3A_11 : memref<5000x16xf32, #tpu.memory_space<hbm>>) target(%arg12 : memref<80x16xf32, #tpu.memory_space<vmem>>) offsets(%arg10 : memref<80xi32, #tpu.memory_space<vmem>>) semaphore(%arg22 : memref<!tpu.dma_semaphore, #tpu.memory_space<semaphore_mem>>)
    %scan3A = arith.constant 0 : i32
    %scan3A_12 = arith.constant 0 : i32
    %scan3A_13 = arith.constant 125 : i32
    %scan3A_14 = arith.addi %scan3A_12, %scan3A_13 : i32
    %scan3A_15 = arith.constant 1 : i32
    scf.for %scan3A_23 = %scan3A_12 to %scan3A_14 step %scan3A_15  : i32 {
      %jit3A = arith.constant 2 : i32
      %eq3A_24 = arith.constant 0 : i32
      %eq3A_25 = arith.cmpi eq, %jit3A, %eq3A_24 : i32
      %jit3A_26 = arith.constant 1 : i32
      %select_n3A = arith.select %eq3A_25, %jit3A_26, %jit3A : i32
      %rem3A = arith.remsi %scan3A_23, %select_n3A : i32
      %ne3A = arith.constant 0 : i32
      %ne3A_27 = arith.cmpi ne, %rem3A, %ne3A : i32
      %lt3A = arith.constant 0 : i32
      %lt3A_28 = arith.cmpi slt, %rem3A, %lt3A : i32
      %lt3A_29 = arith.constant 0 : i32
      %lt3A_30 = arith.cmpi slt, %select_n3A, %lt3A_29 : i32
      %ne3A_31 = arith.xori %lt3A_28, %lt3A_30 : i1
      %and3A = arith.andi %ne3A_31, %ne3A_27 : i1
      %add3A_32 = arith.addi %rem3A, %select_n3A : i32
      %select_n3A_33 = arith.select %and3A, %add3A_32, %rem3A : i32
      %eq3A_34 = arith.constant 0 : i32
      %eq3A_35 = arith.cmpi eq, %select_n3A_33, %eq3A_34 : i32
      %convert_element_type3A_36 = arith.extui %eq3A_35 : i1 to i32
      %cond3A_37 = arith.constant 0 : i32
      %cond3A_38 = arith.cmpi ne, %convert_element_type3A_36, %cond3A_37 : i32
      scf.if %cond3A_38 {
        %add3A_60 = arith.constant 1 : i32
        %add3A_61 = arith.addi %scan3A_23, %add3A_60 : i32
        %lt3A_62 = arith.constant 125 : i32
        %lt3A_63 = arith.cmpi slt, %add3A_61, %lt3A_62 : i32
        %convert_element_type3A_64 = arith.extui %lt3A_63 : i1 to i32
        %cond3A_65 = arith.constant 0 : i32
        %cond3A_66 = arith.cmpi ne, %convert_element_type3A_64, %cond3A_65 : i32
        scf.if %cond3A_66 {
          %add3A_74 = arith.constant 1 : i32
          %add3A_75 = arith.addi %scan3A_23, %add3A_74 : i32
          %mul3A_76 = arith.constant 80 : i32
          %mul3A_77 = arith.muli %add3A_75, %mul3A_76 : i32
          %add3A_78 = arith.addi %mul3A_4, %mul3A_77 : i32
          "tpu.region"() ({
            %run_scoped3A = tpu.sem_alloc : memref<!tpu.dma_semaphore, #tpu.memory_space<semaphore_mem>>
            %dma_start3A_85 = tpu.memref_slice %arg2[%add3A_78] : memref<320000xi32, #tpu.memory_space<hbm>> -> memref<80xi32, #tpu.memory_space<hbm>>
            %dma_start3A_86 = tpu.memref_slice %arg2[%add3A_78] : memref<320000xi32, #tpu.memory_space<hbm>> -> memref<80xi32, #tpu.memory_space<hbm>>
            tpu.enqueue_dma source(%dma_start3A_86 : memref<80xi32, #tpu.memory_space<hbm>>) target(%arg14 : memref<80xi32, #tpu.memory_space<vmem>>) target_semaphore(%run_scoped3A : memref<!tpu.dma_semaphore, #tpu.memory_space<semaphore_mem>>)
            %dma_wait3A_87 = tpu.memref_slice %arg2[%add3A_78] : memref<320000xi32, #tpu.memory_space<hbm>> -> memref<80xi32, #tpu.memory_space<hbm>>
            %dma_wait3A_88 = tpu.memref_slice %arg2[%add3A_78] : memref<320000xi32, #tpu.memory_space<hbm>> -> memref<80xi32, #tpu.memory_space<hbm>>
            tpu.wait_dma2 semaphore(%run_scoped3A : memref<!tpu.dma_semaphore, #tpu.memory_space<semaphore_mem>>) src(%dma_wait3A_88 : memref<80xi32, #tpu.memory_space<hbm>>) dst(%arg14 : memref<80xi32, #tpu.memory_space<vmem>>)
            tpu.yield
          }) : () -> ()
          "tpu.region"() ({
            %run_scoped3A = tpu.sem_alloc : memref<!tpu.dma_semaphore, #tpu.memory_space<semaphore_mem>>
            %dma_start3A_85 = tpu.memref_slice %arg3[%add3A_78] : memref<320000xi32, #tpu.memory_space<hbm>> -> memref<80xi32, #tpu.memory_space<hbm>>
            %dma_start3A_86 = tpu.memref_slice %arg3[%add3A_78] : memref<320000xi32, #tpu.memory_space<hbm>> -> memref<80xi32, #tpu.memory_space<hbm>>
            tpu.enqueue_dma source(%dma_start3A_86 : memref<80xi32, #tpu.memory_space<hbm>>) target(%arg15 : memref<80xi32, #tpu.memory_space<vmem>>) target_semaphore(%run_scoped3A : memref<!tpu.dma_semaphore, #tpu.memory_space<semaphore_mem>>)
            %dma_wait3A_87 = tpu.memref_slice %arg3[%add3A_78] : memref<320000xi32, #tpu.memory_space<hbm>> -> memref<80xi32, #tpu.memory_space<hbm>>
            %dma_wait3A_88 = tpu.memref_slice %arg3[%add3A_78] : memref<320000xi32, #tpu.memory_space<hbm>> -> memref<80xi32, #tpu.memory_space<hbm>>
            tpu.wait_dma2 semaphore(%run_scoped3A : memref<!tpu.dma_semaphore, #tpu.memory_space<semaphore_mem>>) src(%dma_wait3A_88 : memref<80xi32, #tpu.memory_space<hbm>>) dst(%arg15 : memref<80xi32, #tpu.memory_space<vmem>>)
            tpu.yield
          }) : () -> ()
          "tpu.region"() ({
            %run_scoped3A = tpu.sem_alloc : memref<!tpu.dma_semaphore, #tpu.memory_space<semaphore_mem>>
            %dma_start3A_85 = arith.constant 0 : i32
            %dma_start3A_86 = tpu.memref_slice %arg16[%dma_start3A_85] : memref<96xf32, #tpu.memory_space<vmem>> -> memref<80xf32, #tpu.memory_space<vmem>>
            %dma_start3A_87 = tpu.memref_slice %arg4[%add3A_78] : memref<320000xf32, #tpu.memory_space<hbm>> -> memref<80xf32, #tpu.memory_space<hbm>>
            %dma_start3A_88 = arith.constant 0 : i32
            %dma_start3A_89 = tpu.memref_slice %arg16[%dma_start3A_88] : memref<96xf32, #tpu.memory_space<vmem>> -> memref<80xf32, #tpu.memory_space<vmem>>
            %dma_start3A_90 = tpu.memref_slice %arg4[%add3A_78] : memref<320000xf32, #tpu.memory_space<hbm>> -> memref<80xf32, #tpu.memory_space<hbm>>
            tpu.enqueue_dma source(%dma_start3A_90 : memref<80xf32, #tpu.memory_space<hbm>>) target(%dma_start3A_89 : memref<80xf32, #tpu.memory_space<vmem>>) target_semaphore(%run_scoped3A : memref<!tpu.dma_semaphore, #tpu.memory_space<semaphore_mem>>)
            %dma_wait3A_91 = arith.constant 0 : i32
            %dma_wait3A_92 = tpu.memref_slice %arg16[%dma_wait3A_91] : memref<96xf32, #tpu.memory_space<vmem>> -> memref<80xf32, #tpu.memory_space<vmem>>
            %dma_wait3A_93 = tpu.memref_slice %arg4[%add3A_78] : memref<320000xf32, #tpu.memory_space<hbm>> -> memref<80xf32, #tpu.memory_space<hbm>>
            %dma_wait3A_94 = arith.constant 0 : i32
            %dma_wait3A_95 = tpu.memref_slice %arg16[%dma_wait3A_94] : memref<96xf32, #tpu.memory_space<vmem>> -> memref<80xf32, #tpu.memory_space<vmem>>
            %dma_wait3A_96 = tpu.memref_slice %arg4[%add3A_78] : memref<320000xf32, #tpu.memory_space<hbm>> -> memref<80xf32, #tpu.memory_space<hbm>>
            tpu.wait_dma2 semaphore(%run_scoped3A : memref<!tpu.dma_semaphore, #tpu.memory_space<semaphore_mem>>) src(%dma_wait3A_96 : memref<80xf32, #tpu.memory_space<hbm>>) dst(%dma_wait3A_95 : memref<80xf32, #tpu.memory_space<vmem>>)
            tpu.yield
          }) : () -> ()
          %dma_start3A_79 = arith.constant 0 : i32
          %dma_start3A_80 = arith.constant 0 : i32
          %dma_start3A_81 = tpu.memref_slice %arg5[%dma_start3A_79, %dma_start3A_80] : memref<5000x144xf32, #tpu.memory_space<hbm>> -> memref<5000x144xf32, #tpu.memory_space<hbm>>
          tpu.enqueue_indirect_dma source(%dma_start3A_81 : memref<5000x144xf32, #tpu.memory_space<hbm>>) target(%arg18 : memref<80x144xf32, #tpu.memory_space<vmem>>) offsets(%arg14 : memref<80xi32, #tpu.memory_space<vmem>>) semaphore(%arg21 : memref<!tpu.dma_semaphore, #tpu.memory_space<semaphore_mem>>)
          %dma_start3A_82 = arith.constant 0 : i32
          %dma_start3A_83 = arith.constant 0 : i32
          %dma_start3A_84 = tpu.memref_slice %arg6[%dma_start3A_82, %dma_start3A_83] : memref<5000x16xf32, #tpu.memory_space<hbm>> -> memref<5000x16xf32, #tpu.memory_space<hbm>>
          tpu.enqueue_indirect_dma source(%dma_start3A_84 : memref<5000x16xf32, #tpu.memory_space<hbm>>) target(%arg17 : memref<80x16xf32, #tpu.memory_space<vmem>>) offsets(%arg15 : memref<80xi32, #tpu.memory_space<vmem>>) semaphore(%arg23 : memref<!tpu.dma_semaphore, #tpu.memory_space<semaphore_mem>>)
        } else {
        }
        %dma_wait3A = arith.constant 0 : i32
        %dma_wait3A_67 = arith.constant 0 : i32
        %dma_wait3A_68 = tpu.memref_slice %arg5[%dma_wait3A, %dma_wait3A_67] : memref<5000x144xf32, #tpu.memory_space<hbm>> -> memref<5000x144xf32, #tpu.memory_space<hbm>>
        tpu.wait_indirect_dma semaphore(%arg20 : memref<!tpu.dma_semaphore, #tpu.memory_space<semaphore_mem>>) src(%dma_wait3A_68 : memref<5000x144xf32, #tpu.memory_space<hbm>>) dst(%arg13 : memref<80x144xf32, #tpu.memory_space<vmem>>)
        %dma_wait3A_69 = arith.constant 0 : i32
        %dma_wait3A_70 = arith.constant 0 : i32
        %dma_wait3A_71 = tpu.memref_slice %arg6[%dma_wait3A_69, %dma_wait3A_70] : memref<5000x16xf32, #tpu.memory_space<hbm>> -> memref<5000x16xf32, #tpu.memory_space<hbm>>
        tpu.wait_indirect_dma semaphore(%arg22 : memref<!tpu.dma_semaphore, #tpu.memory_space<semaphore_mem>>) src(%dma_wait3A_71 : memref<5000x16xf32, #tpu.memory_space<hbm>>) dst(%arg12 : memref<80x16xf32, #tpu.memory_space<vmem>>)
        %parallel_loop3A = arith.constant 0 : i32
        %parallel_loop3A_72 = arith.constant 80 : i32
        %parallel_loop3A_73 = arith.constant 1 : i32
        scf.for %parallel_loop3A_74 = %parallel_loop3A to %parallel_loop3A_72 step %parallel_loop3A_73  : i32 {
          %parallel_loop3A_75 = arith.index_cast %parallel_loop3A_74 : i32 to index
          %parallel_loop3A_76 = arith.constant 128 : index
          %parallel_loop3A_77 = tpu.vector_load %arg13[%parallel_loop3A_75, %parallel_loop3A_76] {strides = array<i32>} : memref<80x144xf32, #tpu.memory_space<vmem>>, vector<1x16xf32>,
          %parallel_loop3A_78 = vector.shape_cast %parallel_loop3A_77 : vector<1x16xf32> to vector<16xf32>
          %parallel_loop3A_79 = arith.index_cast %parallel_loop3A_74 : i32 to index
          %parallel_loop3A_80 = arith.constant 0 : index
          %parallel_loop3A_81 = tpu.vector_load %arg12[%parallel_loop3A_79, %parallel_loop3A_80] {strides = array<i32>} : memref<80x16xf32, #tpu.memory_space<vmem>>, vector<1x16xf32>,
          %parallel_loop3A_82 = vector.shape_cast %parallel_loop3A_81 : vector<1x16xf32> to vector<16xf32>
          %parallel_loop3A_83 = arith.index_cast %parallel_loop3A_74 : i32 to index
          %parallel_loop3A_84 = tpu.vector_load %arg11[%parallel_loop3A_83] {strides = array<i32>} : memref<96xf32, #tpu.memory_space<vmem>>, vector<16xf32>,
          %parallel_loop3A_85 = vector.shape_cast %parallel_loop3A_84 : vector<16xf32> to vector<16xf32>
          %parallel_loop3A_86 = arith.addf %parallel_loop3A_78, %parallel_loop3A_82 : vector<16xf32>
          %parallel_loop3A_87 = vector.extract_strided_slice %parallel_loop3A_85 {offsets = [0], sizes = [1], strides = [1]} : vector<16xf32> to vector<1xf32>
          %parallel_loop3A_88 = vector.extract %parallel_loop3A_87[0] : f32 from vector<1xf32>
          %parallel_loop3A_89 = vector.broadcast %parallel_loop3A_88 : f32 to vector<16xf32>
          %parallel_loop3A_90 = arith.addf %parallel_loop3A_86, %parallel_loop3A_89 : vector<16xf32>
          %parallel_loop3A_91 = arith.constant 0.000000e+00 : f32
          %parallel_loop3A_92 = vector.broadcast %parallel_loop3A_91 : f32 to vector<16xf32>
          %parallel_loop3A_93 = arith.cmpf ogt, %parallel_loop3A_90, %parallel_loop3A_92 : vector<16xf32>
          %parallel_loop3A_94 = arith.constant 0.00999999977 : f32
          %parallel_loop3A_95 = vector.broadcast %parallel_loop3A_94 : f32 to vector<16xf32>
          %parallel_loop3A_96 = arith.mulf %parallel_loop3A_90, %parallel_loop3A_95 : vector<16xf32>
          %parallel_loop3A_97 = arith.select %parallel_loop3A_93, %parallel_loop3A_90, %parallel_loop3A_96 : vector<16xi1>, vector<16xf32>
          %parallel_loop3A_98 = math.exp %parallel_loop3A_97 : vector<16xf32>
          %parallel_loop3A_99 = arith.index_cast %parallel_loop3A_74 : i32 to index
          %parallel_loop3A_100 = arith.constant 0 : index
          %parallel_loop3A_101 = tpu.vector_load %arg13[%parallel_loop3A_99, %parallel_loop3A_100] {strides = array<i32>} : memref<80x144xf32, #tpu.memory_space<vmem>>, vector<1x16xf32>,
          %parallel_loop3A_102 = vector.shape_cast %parallel_loop3A_101 : vector<1x16xf32> to vector<16xf32>
          %parallel_loop3A_103 = arith.mulf %parallel_loop3A_102, %parallel_loop3A_98 : vector<16xf32>
          %parallel_loop3A_104 = arith.index_cast %parallel_loop3A_74 : i32 to index
          %parallel_loop3A_105 = arith.constant 0 : index
          %parallel_loop3A_106 = tpu.vector_load %arg13[%parallel_loop3A_104, %parallel_loop3A_105] {strides = array<i32>} : memref<80x144xf32, #tpu.memory_space<vmem>>, vector<1x16xf32>,
          %parallel_loop3A_107 = vector.shape_cast %parallel_loop3A_106 : vector<1x16xf32> to vector<16xf32>
          %parallel_loop3A_108 = vector.shape_cast %parallel_loop3A_103 : vector<16xf32> to vector<1x16xf32>
          tpu.vector_store %arg13[%parallel_loop3A_104, %parallel_loop3A_105], %parallel_loop3A_108 {strides = array<i32>} : memref<80x144xf32, #tpu.memory_space<vmem>>, vector<1x16xf32>,
          %parallel_loop3A_109 = arith.index_cast %parallel_loop3A_74 : i32 to index
          %parallel_loop3A_110 = arith.constant 16 : index
          %parallel_loop3A_111 = tpu.vector_load %arg13[%parallel_loop3A_109, %parallel_loop3A_110] {strides = array<i32>} : memref<80x144xf32, #tpu.memory_space<vmem>>, vector<1x16xf32>,
          %parallel_loop3A_112 = vector.shape_cast %parallel_loop3A_111 : vector<1x16xf32> to vector<16xf32>
          %parallel_loop3A_113 = arith.mulf %parallel_loop3A_112, %parallel_loop3A_98 : vector<16xf32>
          %parallel_loop3A_114 = arith.index_cast %parallel_loop3A_74 : i32 to index
          %parallel_loop3A_115 = arith.constant 16 : index
          %parallel_loop3A_116 = tpu.vector_load %arg13[%parallel_loop3A_114, %parallel_loop3A_115] {strides = array<i32>} : memref<80x144xf32, #tpu.memory_space<vmem>>, vector<1x16xf32>,
          %parallel_loop3A_117 = vector.shape_cast %parallel_loop3A_116 : vector<1x16xf32> to vector<16xf32>
          %parallel_loop3A_118 = vector.shape_cast %parallel_loop3A_113 : vector<16xf32> to vector<1x16xf32>
          tpu.vector_store %arg13[%parallel_loop3A_114, %parallel_loop3A_115], %parallel_loop3A_118 {strides = array<i32>} : memref<80x144xf32, #tpu.memory_space<vmem>>, vector<1x16xf32>,
          %parallel_loop3A_119 = arith.index_cast %parallel_loop3A_74 : i32 to index
          %parallel_loop3A_120 = arith.constant 32 : index
          %parallel_loop3A_121 = tpu.vector_load %arg13[%parallel_loop3A_119, %parallel_loop3A_120] {strides = array<i32>} : memref<80x144xf32, #tpu.memory_space<vmem>>, vector<1x16xf32>,
          %parallel_loop3A_122 = vector.shape_cast %parallel_loop3A_121 : vector<1x16xf32> to vector<16xf32>
          %parallel_loop3A_123 = arith.mulf %parallel_loop3A_122, %parallel_loop3A_98 : vector<16xf32>
          %parallel_loop3A_124 = arith.index_cast %parallel_loop3A_74 : i32 to index
          %parallel_loop3A_125 = arith.constant 32 : index
          %parallel_loop3A_126 = tpu.vector_load %arg13[%parallel_loop3A_124, %parallel_loop3A_125] {strides = array<i32>} : memref<80x144xf32, #tpu.memory_space<vmem>>, vector<1x16xf32>,
          %parallel_loop3A_127 = vector.shape_cast %parallel_loop3A_126 : vector<1x16xf32> to vector<16xf32>
          %parallel_loop3A_128 = vector.shape_cast %parallel_loop3A_123 : vector<16xf32> to vector<1x16xf32>
          tpu.vector_store %arg13[%parallel_loop3A_124, %parallel_loop3A_125], %parallel_loop3A_128 {strides = array<i32>} : memref<80x144xf32, #tpu.memory_space<vmem>>, vector<1x16xf32>,
          %parallel_loop3A_129 = arith.index_cast %parallel_loop3A_74 : i32 to index
          %parallel_loop3A_130 = arith.constant 48 : index
          %parallel_loop3A_131 = tpu.vector_load %arg13[%parallel_loop3A_129, %parallel_loop3A_130] {strides = array<i32>} : memref<80x144xf32, #tpu.memory_space<vmem>>, vector<1x16xf32>,
          %parallel_loop3A_132 = vector.shape_cast %parallel_loop3A_131 : vector<1x16xf32> to vector<16xf32>
          %parallel_loop3A_133 = arith.mulf %parallel_loop3A_132, %parallel_loop3A_98 : vector<16xf32>
          %parallel_loop3A_134 = arith.index_cast %parallel_loop3A_74 : i32 to index
          %parallel_loop3A_135 = arith.constant 48 : index
          %parallel_loop3A_136 = tpu.vector_load %arg13[%parallel_loop3A_134, %parallel_loop3A_135] {strides = array<i32>} : memref<80x144xf32, #tpu.memory_space<vmem>>, vector<1x16xf32>,
          %parallel_loop3A_137 = vector.shape_cast %parallel_loop3A_136 : vector<1x16xf32> to vector<16xf32>
          %parallel_loop3A_138 = vector.shape_cast %parallel_loop3A_133 : vector<16xf32> to vector<1x16xf32>
          tpu.vector_store %arg13[%parallel_loop3A_134, %parallel_loop3A_135], %parallel_loop3A_138 {strides = array<i32>} : memref<80x144xf32, #tpu.memory_space<vmem>>, vector<1x16xf32>,
          %parallel_loop3A_139 = arith.index_cast %parallel_loop3A_74 : i32 to index
          %parallel_loop3A_140 = arith.constant 64 : index
          %parallel_loop3A_141 = tpu.vector_load %arg13[%parallel_loop3A_139, %parallel_loop3A_140] {strides = array<i32>} : memref<80x144xf32, #tpu.memory_space<vmem>>, vector<1x16xf32>,
          %parallel_loop3A_142 = vector.shape_cast %parallel_loop3A_141 : vector<1x16xf32> to vector<16xf32>
          %parallel_loop3A_143 = arith.mulf %parallel_loop3A_142, %parallel_loop3A_98 : vector<16xf32>
          %parallel_loop3A_144 = arith.index_cast %parallel_loop3A_74 : i32 to index
          %parallel_loop3A_145 = arith.constant 64 : index
          %parallel_loop3A_146 = tpu.vector_load %arg13[%parallel_loop3A_144, %parallel_loop3A_145] {strides = array<i32>} : memref<80x144xf32, #tpu.memory_space<vmem>>, vector<1x16xf32>,
          %parallel_loop3A_147 = vector.shape_cast %parallel_loop3A_146 : vector<1x16xf32> to vector<16xf32>
          %parallel_loop3A_148 = vector.shape_cast %parallel_loop3A_143 : vector<16xf32> to vector<1x16xf32>
          tpu.vector_store %arg13[%parallel_loop3A_144, %parallel_loop3A_145], %parallel_loop3A_148 {strides = array<i32>} : memref<80x144xf32, #tpu.memory_space<vmem>>, vector<1x16xf32>,
          %parallel_loop3A_149 = arith.index_cast %parallel_loop3A_74 : i32 to index
          %parallel_loop3A_150 = arith.constant 80 : index
          %parallel_loop3A_151 = tpu.vector_load %arg13[%parallel_loop3A_149, %parallel_loop3A_150] {strides = array<i32>} : memref<80x144xf32, #tpu.memory_space<vmem>>, vector<1x16xf32>,
          %parallel_loop3A_152 = vector.shape_cast %parallel_loop3A_151 : vector<1x16xf32> to vector<16xf32>
          %parallel_loop3A_153 = arith.mulf %parallel_loop3A_152, %parallel_loop3A_98 : vector<16xf32>
          %parallel_loop3A_154 = arith.index_cast %parallel_loop3A_74 : i32 to index
          %parallel_loop3A_155 = arith.constant 80 : index
          %parallel_loop3A_156 = tpu.vector_load %arg13[%parallel_loop3A_154, %parallel_loop3A_155] {strides = array<i32>} : memref<80x144xf32, #tpu.memory_space<vmem>>, vector<1x16xf32>,
          %parallel_loop3A_157 = vector.shape_cast %parallel_loop3A_156 : vector<1x16xf32> to vector<16xf32>
          %parallel_loop3A_158 = vector.shape_cast %parallel_loop3A_153 : vector<16xf32> to vector<1x16xf32>
          tpu.vector_store %arg13[%parallel_loop3A_154, %parallel_loop3A_155], %parallel_loop3A_158 {strides = array<i32>} : memref<80x144xf32, #tpu.memory_space<vmem>>, vector<1x16xf32>,
          %parallel_loop3A_159 = arith.index_cast %parallel_loop3A_74 : i32 to index
          %parallel_loop3A_160 = arith.constant 96 : index
          %parallel_loop3A_161 = tpu.vector_load %arg13[%parallel_loop3A_159, %parallel_loop3A_160] {strides = array<i32>} : memref<80x144xf32, #tpu.memory_space<vmem>>, vector<1x16xf32>,
          %parallel_loop3A_162 = vector.shape_cast %parallel_loop3A_161 : vector<1x16xf32> to vector<16xf32>
          %parallel_loop3A_163 = arith.mulf %parallel_loop3A_162, %parallel_loop3A_98 : vector<16xf32>
          %parallel_loop3A_164 = arith.index_cast %parallel_loop3A_74 : i32 to index
          %parallel_loop3A_165 = arith.constant 96 : index
          %parallel_loop3A_166 = tpu.vector_load %arg13[%parallel_loop3A_164, %parallel_loop3A_165] {strides = array<i32>} : memref<80x144xf32, #tpu.memory_space<vmem>>, vector<1x16xf32>,
          %parallel_loop3A_167 = vector.shape_cast %parallel_loop3A_166 : vector<1x16xf32> to vector<16xf32>
          %parallel_loop3A_168 = vector.shape_cast %parallel_loop3A_163 : vector<16xf32> to vector<1x16xf32>
          tpu.vector_store %arg13[%parallel_loop3A_164, %parallel_loop3A_165], %parallel_loop3A_168 {strides = array<i32>} : memref<80x144xf32, #tpu.memory_space<vmem>>, vector<1x16xf32>,
          %parallel_loop3A_169 = arith.index_cast %parallel_loop3A_74 : i32 to index
          %parallel_loop3A_170 = arith.constant 112 : index
          %parallel_loop3A_171 = tpu.vector_load %arg13[%parallel_loop3A_169, %parallel_loop3A_170] {strides = array<i32>} : memref<80x144xf32, #tpu.memory_space<vmem>>, vector<1x16xf32>,
          %parallel_loop3A_172 = vector.shape_cast %parallel_loop3A_171 : vector<1x16xf32> to vector<16xf32>
          %parallel_loop3A_173 = arith.mulf %parallel_loop3A_172, %parallel_loop3A_98 : vector<16xf32>
          %parallel_loop3A_174 = arith.index_cast %parallel_loop3A_74 : i32 to index
          %parallel_loop3A_175 = arith.constant 112 : index
          %parallel_loop3A_176 = tpu.vector_load %arg13[%parallel_loop3A_174, %parallel_loop3A_175] {strides = array<i32>} : memref<80x144xf32, #tpu.memory_space<vmem>>, vector<1x16xf32>,
          %parallel_loop3A_177 = vector.shape_cast %parallel_loop3A_176 : vector<1x16xf32> to vector<16xf32>
          %parallel_loop3A_178 = vector.shape_cast %parallel_loop3A_173 : vector<16xf32> to vector<1x16xf32>
          tpu.vector_store %arg13[%parallel_loop3A_174, %parallel_loop3A_175], %parallel_loop3A_178 {strides = array<i32>} : memref<80x144xf32, #tpu.memory_space<vmem>>, vector<1x16xf32>,
          %parallel_loop3A_179 = arith.index_cast %parallel_loop3A_74 : i32 to index
          %parallel_loop3A_180 = arith.constant 128 : index
          %parallel_loop3A_181 = tpu.vector_load %arg13[%parallel_loop3A_179, %parallel_loop3A_180] {strides = array<i32>} : memref<80x144xf32, #tpu.memory_space<vmem>>, vector<1x16xf32>,
          %parallel_loop3A_182 = vector.shape_cast %parallel_loop3A_181 : vector<1x16xf32> to vector<16xf32>
          %parallel_loop3A_183 = vector.shape_cast %parallel_loop3A_98 : vector<16xf32> to vector<1x16xf32>
          tpu.vector_store %arg13[%parallel_loop3A_179, %parallel_loop3A_180], %parallel_loop3A_183 {strides = array<i32>} : memref<80x144xf32, #tpu.memory_space<vmem>>, vector<1x16xf32>,
        } {sc.loop_unroll_factor = 8 : i64, sc.parallel_access}
        "tpu.region"() ({
          %run_scoped3A = tpu.sem_alloc : memref<!tpu.dma_semaphore, #tpu.memory_space<semaphore_mem>>
          %dma_start3A_74 = arith.constant 0 : i32
          %dma_start3A_75 = arith.constant 0 : i32
          %dma_start3A_76 = tpu.memref_slice %arg19[%dma_start3A_74, %dma_start3A_75] : memref<5000x144xf32, #tpu.memory_space<vmem_shared>> -> memref<5000x144xf32, #tpu.memory_space<vmem_shared>>
          tpu.enqueue_indirect_dma source(%arg13 : memref<80x144xf32, #tpu.memory_space<vmem>>) target(%dma_start3A_76 : memref<5000x144xf32, #tpu.memory_space<vmem_shared>>) offsets(%arg10 : memref<80xi32, #tpu.memory_space<vmem>>) semaphore(%run_scoped3A : memref<!tpu.dma_semaphore, #tpu.memory_space<semaphore_mem>>) {add = true}
          %dma_wait3A_77 = arith.constant 0 : i32
          %dma_wait3A_78 = arith.constant 0 : i32
          %dma_wait3A_79 = tpu.memref_slice %arg19[%dma_wait3A_77, %dma_wait3A_78] : memref<5000x144xf32, #tpu.memory_space<vmem_shared>> -> memref<5000x144xf32, #tpu.memory_space<vmem_shared>>
          tpu.wait_indirect_dma semaphore(%run_scoped3A : memref<!tpu.dma_semaphore, #tpu.memory_space<semaphore_mem>>) src(%arg13 : memref<80x144xf32, #tpu.memory_space<vmem>>) dst(%dma_wait3A_79 : memref<5000x144xf32, #tpu.memory_space<vmem_shared>>)
          tpu.yield
        }) : () -> ()
      } else {
      }
      %jit3A_39 = arith.constant 2 : i32
      %eq3A_40 = arith.constant 0 : i32
      %eq3A_41 = arith.cmpi eq, %jit3A_39, %eq3A_40 : i32
      %jit3A_42 = arith.constant 1 : i32
      %select_n3A_43 = arith.select %eq3A_41, %jit3A_42, %jit3A_39 : i32
      %rem3A_44 = arith.remsi %scan3A_23, %select_n3A_43 : i32
      %ne3A_45 = arith.constant 0 : i32
      %ne3A_46 = arith.cmpi ne, %rem3A_44, %ne3A_45 : i32
      %lt3A_47 = arith.constant 0 : i32
      %lt3A_48 = arith.cmpi slt, %rem3A_44, %lt3A_47 : i32
      %lt3A_49 = arith.constant 0 : i32
      %lt3A_50 = arith.cmpi slt, %select_n3A_43, %lt3A_49 : i32
      %ne3A_51 = arith.xori %lt3A_48, %lt3A_50 : i1
      %and3A_52 = arith.andi %ne3A_51, %ne3A_46 : i1
      %add3A_53 = arith.addi %rem3A_44, %select_n3A_43 : i32
      %select_n3A_54 = arith.select %and3A_52, %add3A_53, %rem3A_44 : i32
      %eq3A_55 = arith.constant 1 : i32
      %eq3A_56 = arith.cmpi eq, %select_n3A_54, %eq3A_55 : i32
      %convert_element_type3A_57 = arith.extui %eq3A_56 : i1 to i32
      %cond3A_58 = arith.constant 0 : i32
      %cond3A_59 = arith.cmpi ne, %convert_element_type3A_57, %cond3A_58 : i32
      scf.if %cond3A_59 {
        %add3A_60 = arith.constant 1 : i32
        %add3A_61 = arith.addi %scan3A_23, %add3A_60 : i32
        %lt3A_62 = arith.constant 125 : i32
        %lt3A_63 = arith.cmpi slt, %add3A_61, %lt3A_62 : i32
        %convert_element_type3A_64 = arith.extui %lt3A_63 : i1 to i32
        %cond3A_65 = arith.constant 0 : i32
        %cond3A_66 = arith.cmpi ne, %convert_element_type3A_64, %cond3A_65 : i32
        scf.if %cond3A_66 {
          %add3A_74 = arith.constant 1 : i32
          %add3A_75 = arith.addi %scan3A_23, %add3A_74 : i32
          %mul3A_76 = arith.constant 80 : i32
          %mul3A_77 = arith.muli %add3A_75, %mul3A_76 : i32
          %add3A_78 = arith.addi %mul3A_4, %mul3A_77 : i32
          "tpu.region"() ({
            %run_scoped3A = tpu.sem_alloc : memref<!tpu.dma_semaphore, #tpu.memory_space<semaphore_mem>>
            %dma_start3A_85 = tpu.memref_slice %arg2[%add3A_78] : memref<320000xi32, #tpu.memory_space<hbm>> -> memref<80xi32, #tpu.memory_space<hbm>>
            %dma_start3A_86 = tpu.memref_slice %arg2[%add3A_78] : memref<320000xi32, #tpu.memory_space<hbm>> -> memref<80xi32, #tpu.memory_space<hbm>>
            tpu.enqueue_dma source(%dma_start3A_86 : memref<80xi32, #tpu.memory_space<hbm>>) target(%arg9 : memref<80xi32, #tpu.memory_space<vmem>>) target_semaphore(%run_scoped3A : memref<!tpu.dma_semaphore, #tpu.memory_space<semaphore_mem>>)
            %dma_wait3A_87 = tpu.memref_slice %arg2[%add3A_78] : memref<320000xi32, #tpu.memory_space<hbm>> -> memref<80xi32, #tpu.memory_space<hbm>>
            %dma_wait3A_88 = tpu.memref_slice %arg2[%add3A_78] : memref<320000xi32, #tpu.memory_space<hbm>> -> memref<80xi32, #tpu.memory_space<hbm>>
            tpu.wait_dma2 semaphore(%run_scoped3A : memref<!tpu.dma_semaphore, #tpu.memory_space<semaphore_mem>>) src(%dma_wait3A_88 : memref<80xi32, #tpu.memory_space<hbm>>) dst(%arg9 : memref<80xi32, #tpu.memory_space<vmem>>)
            tpu.yield
          }) : () -> ()
          "tpu.region"() ({
            %run_scoped3A = tpu.sem_alloc : memref<!tpu.dma_semaphore, #tpu.memory_space<semaphore_mem>>
            %dma_start3A_85 = tpu.memref_slice %arg3[%add3A_78] : memref<320000xi32, #tpu.memory_space<hbm>> -> memref<80xi32, #tpu.memory_space<hbm>>
            %dma_start3A_86 = tpu.memref_slice %arg3[%add3A_78] : memref<320000xi32, #tpu.memory_space<hbm>> -> memref<80xi32, #tpu.memory_space<hbm>>
            tpu.enqueue_dma source(%dma_start3A_86 : memref<80xi32, #tpu.memory_space<hbm>>) target(%arg10 : memref<80xi32, #tpu.memory_space<vmem>>) target_semaphore(%run_scoped3A : memref<!tpu.dma_semaphore, #tpu.memory_space<semaphore_mem>>)
            %dma_wait3A_87 = tpu.memref_slice %arg3[%add3A_78] : memref<320000xi32, #tpu.memory_space<hbm>> -> memref<80xi32, #tpu.memory_space<hbm>>
            %dma_wait3A_88 = tpu.memref_slice %arg3[%add3A_78] : memref<320000xi32, #tpu.memory_space<hbm>> -> memref<80xi32, #tpu.memory_space<hbm>>
            tpu.wait_dma2 semaphore(%run_scoped3A : memref<!tpu.dma_semaphore, #tpu.memory_space<semaphore_mem>>) src(%dma_wait3A_88 : memref<80xi32, #tpu.memory_space<hbm>>) dst(%arg10 : memref<80xi32, #tpu.memory_space<vmem>>)
            tpu.yield
          }) : () -> ()
          "tpu.region"() ({
            %run_scoped3A = tpu.sem_alloc : memref<!tpu.dma_semaphore, #tpu.memory_space<semaphore_mem>>
            %dma_start3A_85 = arith.constant 0 : i32
            %dma_start3A_86 = tpu.memref_slice %arg11[%dma_start3A_85] : memref<96xf32, #tpu.memory_space<vmem>> -> memref<80xf32, #tpu.memory_space<vmem>>
            %dma_start3A_87 = tpu.memref_slice %arg4[%add3A_78] : memref<320000xf32, #tpu.memory_space<hbm>> -> memref<80xf32, #tpu.memory_space<hbm>>
            %dma_start3A_88 = arith.constant 0 : i32
            %dma_start3A_89 = tpu.memref_slice %arg11[%dma_start3A_88] : memref<96xf32, #tpu.memory_space<vmem>> -> memref<80xf32, #tpu.memory_space<vmem>>
            %dma_start3A_90 = tpu.memref_slice %arg4[%add3A_78] : memref<320000xf32, #tpu.memory_space<hbm>> -> memref<80xf32, #tpu.memory_space<hbm>>
            tpu.enqueue_dma source(%dma_start3A_90 : memref<80xf32, #tpu.memory_space<hbm>>) target(%dma_start3A_89 : memref<80xf32, #tpu.memory_space<vmem>>) target_semaphore(%run_scoped3A : memref<!tpu.dma_semaphore, #tpu.memory_space<semaphore_mem>>)
            %dma_wait3A_91 = arith.constant 0 : i32
            %dma_wait3A_92 = tpu.memref_slice %arg11[%dma_wait3A_91] : memref<96xf32, #tpu.memory_space<vmem>> -> memref<80xf32, #tpu.memory_space<vmem>>
            %dma_wait3A_93 = tpu.memref_slice %arg4[%add3A_78] : memref<320000xf32, #tpu.memory_space<hbm>> -> memref<80xf32, #tpu.memory_space<hbm>>
            %dma_wait3A_94 = arith.constant 0 : i32
            %dma_wait3A_95 = tpu.memref_slice %arg11[%dma_wait3A_94] : memref<96xf32, #tpu.memory_space<vmem>> -> memref<80xf32, #tpu.memory_space<vmem>>
            %dma_wait3A_96 = tpu.memref_slice %arg4[%add3A_78] : memref<320000xf32, #tpu.memory_space<hbm>> -> memref<80xf32, #tpu.memory_space<hbm>>
            tpu.wait_dma2 semaphore(%run_scoped3A : memref<!tpu.dma_semaphore, #tpu.memory_space<semaphore_mem>>) src(%dma_wait3A_96 : memref<80xf32, #tpu.memory_space<hbm>>) dst(%dma_wait3A_95 : memref<80xf32, #tpu.memory_space<vmem>>)
            tpu.yield
          }) : () -> ()
          %dma_start3A_79 = arith.constant 0 : i32
          %dma_start3A_80 = arith.constant 0 : i32
          %dma_start3A_81 = tpu.memref_slice %arg5[%dma_start3A_79, %dma_start3A_80] : memref<5000x144xf32, #tpu.memory_space<hbm>> -> memref<5000x144xf32, #tpu.memory_space<hbm>>
          tpu.enqueue_indirect_dma source(%dma_start3A_81 : memref<5000x144xf32, #tpu.memory_space<hbm>>) target(%arg13 : memref<80x144xf32, #tpu.memory_space<vmem>>) offsets(%arg9 : memref<80xi32, #tpu.memory_space<vmem>>) semaphore(%arg20 : memref<!tpu.dma_semaphore, #tpu.memory_space<semaphore_mem>>)
          %dma_start3A_82 = arith.constant 0 : i32
          %dma_start3A_83 = arith.constant 0 : i32
          %dma_start3A_84 = tpu.memref_slice %arg6[%dma_start3A_82, %dma_start3A_83] : memref<5000x16xf32, #tpu.memory_space<hbm>> -> memref<5000x16xf32, #tpu.memory_space<hbm>>
          tpu.enqueue_indirect_dma source(%dma_start3A_84 : memref<5000x16xf32, #tpu.memory_space<hbm>>) target(%arg12 : memref<80x16xf32, #tpu.memory_space<vmem>>) offsets(%arg10 : memref<80xi32, #tpu.memory_space<vmem>>) semaphore(%arg22 : memref<!tpu.dma_semaphore, #tpu.memory_space<semaphore_mem>>)
        } else {
        }
        %dma_wait3A = arith.constant 0 : i32
        %dma_wait3A_67 = arith.constant 0 : i32
        %dma_wait3A_68 = tpu.memref_slice %arg5[%dma_wait3A, %dma_wait3A_67] : memref<5000x144xf32, #tpu.memory_space<hbm>> -> memref<5000x144xf32, #tpu.memory_space<hbm>>
        tpu.wait_indirect_dma semaphore(%arg21 : memref<!tpu.dma_semaphore, #tpu.memory_space<semaphore_mem>>) src(%dma_wait3A_68 : memref<5000x144xf32, #tpu.memory_space<hbm>>) dst(%arg18 : memref<80x144xf32, #tpu.memory_space<vmem>>)
        %dma_wait3A_69 = arith.constant 0 : i32
        %dma_wait3A_70 = arith.constant 0 : i32
        %dma_wait3A_71 = tpu.memref_slice %arg6[%dma_wait3A_69, %dma_wait3A_70] : memref<5000x16xf32, #tpu.memory_space<hbm>> -> memref<5000x16xf32, #tpu.memory_space<hbm>>
        tpu.wait_indirect_dma semaphore(%arg23 : memref<!tpu.dma_semaphore, #tpu.memory_space<semaphore_mem>>) src(%dma_wait3A_71 : memref<5000x16xf32, #tpu.memory_space<hbm>>) dst(%arg17 : memref<80x16xf32, #tpu.memory_space<vmem>>)
        %parallel_loop3A = arith.constant 0 : i32
        %parallel_loop3A_72 = arith.constant 80 : i32
        %parallel_loop3A_73 = arith.constant 1 : i32
        scf.for %parallel_loop3A_74 = %parallel_loop3A to %parallel_loop3A_72 step %parallel_loop3A_73  : i32 {
          %parallel_loop3A_75 = arith.index_cast %parallel_loop3A_74 : i32 to index
          %parallel_loop3A_76 = arith.constant 128 : index
          %parallel_loop3A_77 = tpu.vector_load %arg18[%parallel_loop3A_75, %parallel_loop3A_76] {strides = array<i32>} : memref<80x144xf32, #tpu.memory_space<vmem>>, vector<1x16xf32>,
          %parallel_loop3A_78 = vector.shape_cast %parallel_loop3A_77 : vector<1x16xf32> to vector<16xf32>
          %parallel_loop3A_79 = arith.index_cast %parallel_loop3A_74 : i32 to index
          %parallel_loop3A_80 = arith.constant 0 : index
          %parallel_loop3A_81 = tpu.vector_load %arg17[%parallel_loop3A_79, %parallel_loop3A_80] {strides = array<i32>} : memref<80x16xf32, #tpu.memory_space<vmem>>, vector<1x16xf32>,
          %parallel_loop3A_82 = vector.shape_cast %parallel_loop3A_81 : vector<1x16xf32> to vector<16xf32>
          %parallel_loop3A_83 = arith.index_cast %parallel_loop3A_74 : i32 to index
          %parallel_loop3A_84 = tpu.vector_load %arg16[%parallel_loop3A_83] {strides = array<i32>} : memref<96xf32, #tpu.memory_space<vmem>>, vector<16xf32>,
          %parallel_loop3A_85 = vector.shape_cast %parallel_loop3A_84 : vector<16xf32> to vector<16xf32>
          %parallel_loop3A_86 = arith.addf %parallel_loop3A_78, %parallel_loop3A_82 : vector<16xf32>
          %parallel_loop3A_87 = vector.extract_strided_slice %parallel_loop3A_85 {offsets = [0], sizes = [1], strides = [1]} : vector<16xf32> to vector<1xf32>
          %parallel_loop3A_88 = vector.extract %parallel_loop3A_87[0] : f32 from vector<1xf32>
          %parallel_loop3A_89 = vector.broadcast %parallel_loop3A_88 : f32 to vector<16xf32>
          %parallel_loop3A_90 = arith.addf %parallel_loop3A_86, %parallel_loop3A_89 : vector<16xf32>
          %parallel_loop3A_91 = arith.constant 0.000000e+00 : f32
          %parallel_loop3A_92 = vector.broadcast %parallel_loop3A_91 : f32 to vector<16xf32>
          %parallel_loop3A_93 = arith.cmpf ogt, %parallel_loop3A_90, %parallel_loop3A_92 : vector<16xf32>
          %parallel_loop3A_94 = arith.constant 0.00999999977 : f32
          %parallel_loop3A_95 = vector.broadcast %parallel_loop3A_94 : f32 to vector<16xf32>
          %parallel_loop3A_96 = arith.mulf %parallel_loop3A_90, %parallel_loop3A_95 : vector<16xf32>
          %parallel_loop3A_97 = arith.select %parallel_loop3A_93, %parallel_loop3A_90, %parallel_loop3A_96 : vector<16xi1>, vector<16xf32>
          %parallel_loop3A_98 = math.exp %parallel_loop3A_97 : vector<16xf32>
          %parallel_loop3A_99 = arith.index_cast %parallel_loop3A_74 : i32 to index
          %parallel_loop3A_100 = arith.constant 0 : index
          %parallel_loop3A_101 = tpu.vector_load %arg18[%parallel_loop3A_99, %parallel_loop3A_100] {strides = array<i32>} : memref<80x144xf32, #tpu.memory_space<vmem>>, vector<1x16xf32>,
          %parallel_loop3A_102 = vector.shape_cast %parallel_loop3A_101 : vector<1x16xf32> to vector<16xf32>
          %parallel_loop3A_103 = arith.mulf %parallel_loop3A_102, %parallel_loop3A_98 : vector<16xf32>
          %parallel_loop3A_104 = arith.index_cast %parallel_loop3A_74 : i32 to index
          %parallel_loop3A_105 = arith.constant 0 : index
          %parallel_loop3A_106 = tpu.vector_load %arg18[%parallel_loop3A_104, %parallel_loop3A_105] {strides = array<i32>} : memref<80x144xf32, #tpu.memory_space<vmem>>, vector<1x16xf32>,
          %parallel_loop3A_107 = vector.shape_cast %parallel_loop3A_106 : vector<1x16xf32> to vector<16xf32>
          %parallel_loop3A_108 = vector.shape_cast %parallel_loop3A_103 : vector<16xf32> to vector<1x16xf32>
          tpu.vector_store %arg18[%parallel_loop3A_104, %parallel_loop3A_105], %parallel_loop3A_108 {strides = array<i32>} : memref<80x144xf32, #tpu.memory_space<vmem>>, vector<1x16xf32>,
          %parallel_loop3A_109 = arith.index_cast %parallel_loop3A_74 : i32 to index
          %parallel_loop3A_110 = arith.constant 16 : index
          %parallel_loop3A_111 = tpu.vector_load %arg18[%parallel_loop3A_109, %parallel_loop3A_110] {strides = array<i32>} : memref<80x144xf32, #tpu.memory_space<vmem>>, vector<1x16xf32>,
          %parallel_loop3A_112 = vector.shape_cast %parallel_loop3A_111 : vector<1x16xf32> to vector<16xf32>
          %parallel_loop3A_113 = arith.mulf %parallel_loop3A_112, %parallel_loop3A_98 : vector<16xf32>
          %parallel_loop3A_114 = arith.index_cast %parallel_loop3A_74 : i32 to index
          %parallel_loop3A_115 = arith.constant 16 : index
          %parallel_loop3A_116 = tpu.vector_load %arg18[%parallel_loop3A_114, %parallel_loop3A_115] {strides = array<i32>} : memref<80x144xf32, #tpu.memory_space<vmem>>, vector<1x16xf32>,
          %parallel_loop3A_117 = vector.shape_cast %parallel_loop3A_116 : vector<1x16xf32> to vector<16xf32>
          %parallel_loop3A_118 = vector.shape_cast %parallel_loop3A_113 : vector<16xf32> to vector<1x16xf32>
          tpu.vector_store %arg18[%parallel_loop3A_114, %parallel_loop3A_115], %parallel_loop3A_118 {strides = array<i32>} : memref<80x144xf32, #tpu.memory_space<vmem>>, vector<1x16xf32>,
          %parallel_loop3A_119 = arith.index_cast %parallel_loop3A_74 : i32 to index
          %parallel_loop3A_120 = arith.constant 32 : index
          %parallel_loop3A_121 = tpu.vector_load %arg18[%parallel_loop3A_119, %parallel_loop3A_120] {strides = array<i32>} : memref<80x144xf32, #tpu.memory_space<vmem>>, vector<1x16xf32>,
          %parallel_loop3A_122 = vector.shape_cast %parallel_loop3A_121 : vector<1x16xf32> to vector<16xf32>
          %parallel_loop3A_123 = arith.mulf %parallel_loop3A_122, %parallel_loop3A_98 : vector<16xf32>
          %parallel_loop3A_124 = arith.index_cast %parallel_loop3A_74 : i32 to index
          %parallel_loop3A_125 = arith.constant 32 : index
          %parallel_loop3A_126 = tpu.vector_load %arg18[%parallel_loop3A_124, %parallel_loop3A_125] {strides = array<i32>} : memref<80x144xf32, #tpu.memory_space<vmem>>, vector<1x16xf32>,
          %parallel_loop3A_127 = vector.shape_cast %parallel_loop3A_126 : vector<1x16xf32> to vector<16xf32>
          %parallel_loop3A_128 = vector.shape_cast %parallel_loop3A_123 : vector<16xf32> to vector<1x16xf32>
          tpu.vector_store %arg18[%parallel_loop3A_124, %parallel_loop3A_125], %parallel_loop3A_128 {strides = array<i32>} : memref<80x144xf32, #tpu.memory_space<vmem>>, vector<1x16xf32>,
          %parallel_loop3A_129 = arith.index_cast %parallel_loop3A_74 : i32 to index
          %parallel_loop3A_130 = arith.constant 48 : index
          %parallel_loop3A_131 = tpu.vector_load %arg18[%parallel_loop3A_129, %parallel_loop3A_130] {strides = array<i32>} : memref<80x144xf32, #tpu.memory_space<vmem>>, vector<1x16xf32>,
          %parallel_loop3A_132 = vector.shape_cast %parallel_loop3A_131 : vector<1x16xf32> to vector<16xf32>
          %parallel_loop3A_133 = arith.mulf %parallel_loop3A_132, %parallel_loop3A_98 : vector<16xf32>
          %parallel_loop3A_134 = arith.index_cast %parallel_loop3A_74 : i32 to index
          %parallel_loop3A_135 = arith.constant 48 : index
          %parallel_loop3A_136 = tpu.vector_load %arg18[%parallel_loop3A_134, %parallel_loop3A_135] {strides = array<i32>} : memref<80x144xf32, #tpu.memory_space<vmem>>, vector<1x16xf32>,
          %parallel_loop3A_137 = vector.shape_cast %parallel_loop3A_136 : vector<1x16xf32> to vector<16xf32>
          %parallel_loop3A_138 = vector.shape_cast %parallel_loop3A_133 : vector<16xf32> to vector<1x16xf32>
          tpu.vector_store %arg18[%parallel_loop3A_134, %parallel_loop3A_135], %parallel_loop3A_138 {strides = array<i32>} : memref<80x144xf32, #tpu.memory_space<vmem>>, vector<1x16xf32>,
          %parallel_loop3A_139 = arith.index_cast %parallel_loop3A_74 : i32 to index
          %parallel_loop3A_140 = arith.constant 64 : index
          %parallel_loop3A_141 = tpu.vector_load %arg18[%parallel_loop3A_139, %parallel_loop3A_140] {strides = array<i32>} : memref<80x144xf32, #tpu.memory_space<vmem>>, vector<1x16xf32>,
          %parallel_loop3A_142 = vector.shape_cast %parallel_loop3A_141 : vector<1x16xf32> to vector<16xf32>
          %parallel_loop3A_143 = arith.mulf %parallel_loop3A_142, %parallel_loop3A_98 : vector<16xf32>
          %parallel_loop3A_144 = arith.index_cast %parallel_loop3A_74 : i32 to index
          %parallel_loop3A_145 = arith.constant 64 : index
          %parallel_loop3A_146 = tpu.vector_load %arg18[%parallel_loop3A_144, %parallel_loop3A_145] {strides = array<i32>} : memref<80x144xf32, #tpu.memory_space<vmem>>, vector<1x16xf32>,
          %parallel_loop3A_147 = vector.shape_cast %parallel_loop3A_146 : vector<1x16xf32> to vector<16xf32>
          %parallel_loop3A_148 = vector.shape_cast %parallel_loop3A_143 : vector<16xf32> to vector<1x16xf32>
          tpu.vector_store %arg18[%parallel_loop3A_144, %parallel_loop3A_145], %parallel_loop3A_148 {strides = array<i32>} : memref<80x144xf32, #tpu.memory_space<vmem>>, vector<1x16xf32>,
          %parallel_loop3A_149 = arith.index_cast %parallel_loop3A_74 : i32 to index
          %parallel_loop3A_150 = arith.constant 80 : index
          %parallel_loop3A_151 = tpu.vector_load %arg18[%parallel_loop3A_149, %parallel_loop3A_150] {strides = array<i32>} : memref<80x144xf32, #tpu.memory_space<vmem>>, vector<1x16xf32>,
          %parallel_loop3A_152 = vector.shape_cast %parallel_loop3A_151 : vector<1x16xf32> to vector<16xf32>
          %parallel_loop3A_153 = arith.mulf %parallel_loop3A_152, %parallel_loop3A_98 : vector<16xf32>
          %parallel_loop3A_154 = arith.index_cast %parallel_loop3A_74 : i32 to index
          %parallel_loop3A_155 = arith.constant 80 : index
          %parallel_loop3A_156 = tpu.vector_load %arg18[%parallel_loop3A_154, %parallel_loop3A_155] {strides = array<i32>} : memref<80x144xf32, #tpu.memory_space<vmem>>, vector<1x16xf32>,
          %parallel_loop3A_157 = vector.shape_cast %parallel_loop3A_156 : vector<1x16xf32> to vector<16xf32>
          %parallel_loop3A_158 = vector.shape_cast %parallel_loop3A_153 : vector<16xf32> to vector<1x16xf32>
          tpu.vector_store %arg18[%parallel_loop3A_154, %parallel_loop3A_155], %parallel_loop3A_158 {strides = array<i32>} : memref<80x144xf32, #tpu.memory_space<vmem>>, vector<1x16xf32>,
          %parallel_loop3A_159 = arith.index_cast %parallel_loop3A_74 : i32 to index
          %parallel_loop3A_160 = arith.constant 96 : index
          %parallel_loop3A_161 = tpu.vector_load %arg18[%parallel_loop3A_159, %parallel_loop3A_160] {strides = array<i32>} : memref<80x144xf32, #tpu.memory_space<vmem>>, vector<1x16xf32>,
          %parallel_loop3A_162 = vector.shape_cast %parallel_loop3A_161 : vector<1x16xf32> to vector<16xf32>
          %parallel_loop3A_163 = arith.mulf %parallel_loop3A_162, %parallel_loop3A_98 : vector<16xf32>
          %parallel_loop3A_164 = arith.index_cast %parallel_loop3A_74 : i32 to index
          %parallel_loop3A_165 = arith.constant 96 : index
          %parallel_loop3A_166 = tpu.vector_load %arg18[%parallel_loop3A_164, %parallel_loop3A_165] {strides = array<i32>} : memref<80x144xf32, #tpu.memory_space<vmem>>, vector<1x16xf32>,
          %parallel_loop3A_167 = vector.shape_cast %parallel_loop3A_166 : vector<1x16xf32> to vector<16xf32>
          %parallel_loop3A_168 = vector.shape_cast %parallel_loop3A_163 : vector<16xf32> to vector<1x16xf32>
          tpu.vector_store %arg18[%parallel_loop3A_164, %parallel_loop3A_165], %parallel_loop3A_168 {strides = array<i32>} : memref<80x144xf32, #tpu.memory_space<vmem>>, vector<1x16xf32>,
          %parallel_loop3A_169 = arith.index_cast %parallel_loop3A_74 : i32 to index
          %parallel_loop3A_170 = arith.constant 112 : index
          %parallel_loop3A_171 = tpu.vector_load %arg18[%parallel_loop3A_169, %parallel_loop3A_170] {strides = array<i32>} : memref<80x144xf32, #tpu.memory_space<vmem>>, vector<1x16xf32>,
          %parallel_loop3A_172 = vector.shape_cast %parallel_loop3A_171 : vector<1x16xf32> to vector<16xf32>
          %parallel_loop3A_173 = arith.mulf %parallel_loop3A_172, %parallel_loop3A_98 : vector<16xf32>
          %parallel_loop3A_174 = arith.index_cast %parallel_loop3A_74 : i32 to index
          %parallel_loop3A_175 = arith.constant 112 : index
          %parallel_loop3A_176 = tpu.vector_load %arg18[%parallel_loop3A_174, %parallel_loop3A_175] {strides = array<i32>} : memref<80x144xf32, #tpu.memory_space<vmem>>, vector<1x16xf32>,
          %parallel_loop3A_177 = vector.shape_cast %parallel_loop3A_176 : vector<1x16xf32> to vector<16xf32>
          %parallel_loop3A_178 = vector.shape_cast %parallel_loop3A_173 : vector<16xf32> to vector<1x16xf32>
          tpu.vector_store %arg18[%parallel_loop3A_174, %parallel_loop3A_175], %parallel_loop3A_178 {strides = array<i32>} : memref<80x144xf32, #tpu.memory_space<vmem>>, vector<1x16xf32>,
          %parallel_loop3A_179 = arith.index_cast %parallel_loop3A_74 : i32 to index
          %parallel_loop3A_180 = arith.constant 128 : index
          %parallel_loop3A_181 = tpu.vector_load %arg18[%parallel_loop3A_179, %parallel_loop3A_180] {strides = array<i32>} : memref<80x144xf32, #tpu.memory_space<vmem>>, vector<1x16xf32>,
          %parallel_loop3A_182 = vector.shape_cast %parallel_loop3A_181 : vector<1x16xf32> to vector<16xf32>
          %parallel_loop3A_183 = vector.shape_cast %parallel_loop3A_98 : vector<16xf32> to vector<1x16xf32>
          tpu.vector_store %arg18[%parallel_loop3A_179, %parallel_loop3A_180], %parallel_loop3A_183 {strides = array<i32>} : memref<80x144xf32, #tpu.memory_space<vmem>>, vector<1x16xf32>,
        } {sc.loop_unroll_factor = 8 : i64, sc.parallel_access}
        "tpu.region"() ({
          %run_scoped3A = tpu.sem_alloc : memref<!tpu.dma_semaphore, #tpu.memory_space<semaphore_mem>>
          %dma_start3A_74 = arith.constant 0 : i32
          %dma_start3A_75 = arith.constant 0 : i32
          %dma_start3A_76 = tpu.memref_slice %arg19[%dma_start3A_74, %dma_start3A_75] : memref<5000x144xf32, #tpu.memory_space<vmem_shared>> -> memref<5000x144xf32, #tpu.memory_space<vmem_shared>>
          tpu.enqueue_indirect_dma source(%arg18 : memref<80x144xf32, #tpu.memory_space<vmem>>) target(%dma_start3A_76 : memref<5000x144xf32, #tpu.memory_space<vmem_shared>>) offsets(%arg15 : memref<80xi32, #tpu.memory_space<vmem>>) semaphore(%run_scoped3A : memref<!tpu.dma_semaphore, #tpu.memory_space<semaphore_mem>>) {add = true}
          %dma_wait3A_77 = arith.constant 0 : i32
          %dma_wait3A_78 = arith.constant 0 : i32
          %dma_wait3A_79 = tpu.memref_slice %arg19[%dma_wait3A_77, %dma_wait3A_78] : memref<5000x144xf32, #tpu.memory_space<vmem_shared>> -> memref<5000x144xf32, #tpu.memory_space<vmem_shared>>
          tpu.wait_indirect_dma semaphore(%run_scoped3A : memref<!tpu.dma_semaphore, #tpu.memory_space<semaphore_mem>>) src(%arg18 : memref<80x144xf32, #tpu.memory_space<vmem>>) dst(%dma_wait3A_79 : memref<5000x144xf32, #tpu.memory_space<vmem_shared>>)
          tpu.yield
        }) : () -> ()
      } else {
      }
    }
    %scan3A_16 = arith.constant 125 : i32
    %barrier3A_17 = arith.constant 0 : index
    tpu.barrier barrier_id(%barrier3A_17)
    %eq3A_18 = arith.constant 0 : i32
    %eq3A_19 = arith.cmpi eq, %arg1, %eq3A_18 : i32
    %convert_element_type3A_20 = arith.extui %eq3A_19 : i1 to i32
    %cond3A_21 = arith.constant 0 : i32
    %cond3A_22 = arith.cmpi ne, %convert_element_type3A_20, %cond3A_21 : i32
    scf.if %cond3A_22 {
      "tpu.region"() ({
        %run_scoped3A = tpu.sem_alloc : memref<!tpu.dma_semaphore, #tpu.memory_space<semaphore_mem>>
        %dma_start3A_23 = arith.constant 0 : i32
        %dma_start3A_24 = arith.constant 0 : i32
        %dma_start3A_25 = tpu.memref_slice %arg8[%arg0, %dma_start3A_23, %dma_start3A_24] : memref<2x5000x144xf32, #tpu.memory_space<hbm>> -> memref<1x5000x144xf32, #tpu.memory_space<hbm>>
        %dma_start3A_26 = tpu.memref_squeeze %dma_start3A_25 : memref<1x5000x144xf32, #tpu.memory_space<hbm>> -> memref<5000x144xf32, #tpu.memory_space<hbm>>
        tpu.enqueue_dma source(%arg19 : memref<5000x144xf32, #tpu.memory_space<vmem_shared>>) target(%dma_start3A_26 : memref<5000x144xf32, #tpu.memory_space<hbm>>) target_semaphore(%run_scoped3A : memref<!tpu.dma_semaphore, #tpu.memory_space<semaphore_mem>>)
        %dma_wait3A = arith.constant 0 : i32
        %dma_wait3A_27 = arith.constant 0 : i32
        %dma_wait3A_28 = tpu.memref_slice %arg8[%arg0, %dma_wait3A, %dma_wait3A_27] : memref<2x5000x144xf32, #tpu.memory_space<hbm>> -> memref<1x5000x144xf32, #tpu.memory_space<hbm>>
        %dma_wait3A_29 = tpu.memref_squeeze %dma_wait3A_28 : memref<1x5000x144xf32, #tpu.memory_space<hbm>> -> memref<5000x144xf32, #tpu.memory_space<hbm>>
        tpu.wait_dma2 semaphore(%run_scoped3A : memref<!tpu.dma_semaphore, #tpu.memory_space<semaphore_mem>>) src(%arg19 : memref<5000x144xf32, #tpu.memory_space<vmem_shared>>) dst(%dma_wait3A_29 : memref<5000x144xf32, #tpu.memory_space<hbm>>)
        tpu.yield
      }) : () -> ()
    } else {
    }
    return
  }
}

module attributes {stable_mosaic.version = 14 : i64} {
  func.func @_af_body(%arg0: i32, %arg1: memref<8192x16xf32, #tpu.memory_space<vmem>>, %arg2: memref<128x16xf32, #tpu.memory_space<vmem>>, %arg3: memref<1x384xf32, #tpu.memory_space<vmem>>, %arg4: memref<8192xf32, #tpu.memory_space<vmem>>) attributes {dimension_semantics = [#tpu.dimension_semantics<arbitrary>], iteration_bounds = array<i64: 40>, scalar_prefetch = 0 : i64, scratch_operands = 0 : i64, tpu.core_type = #tpu.core_type<tc>, window_params = [{transform_indices = @transform_0, window_bounds = array<i64: 8192, 16>}, {pipeline_mode = #tpu.pipeline_mode<synchronous>, transform_indices = @transform_1, window_bounds = array<i64: 128, 16>}, {pipeline_mode = #tpu.pipeline_mode<synchronous>, transform_indices = @transform_2, window_bounds = array<i64: 1, 384>}, {transform_indices = @transform_3, window_bounds = array<i64: 8192>}]} {
    %get3A = arith.constant 0 : index
    %get3A_0 = arith.constant 256 : index
    %get3A_1 = vector.load %arg3[%get3A, %get3A_0] : memref<1x384xf32, #tpu.memory_space<vmem>>, vector<1x128xf32>
    %get3A_2 = vector.shape_cast %get3A_1 : vector<1x128xf32> to vector<128xf32>
    %get3A_3 = arith.constant 0 : index
    %get3A_4 = arith.constant 0 : index
    %get3A_5 = vector.load %arg2[%get3A_3, %get3A_4] : memref<128x16xf32, #tpu.memory_space<vmem>>, vector<128x16xf32>
    %dot_general3A = arith.constant dense<0.000000e+00> : vector<16xf32>
    %dot_general3A_6 = tpu.matmul %get3A_2, %get3A_5, %dot_general3A {dimension_numbers = #tpu.dot_dimension_numbers<[0], [0], [], [1], [1, 1], [], []>, transpose_lhs_hint = false} : vector<128xf32>, vector<128x16xf32>, vector<16xf32> -> vector<16xf32>
    %get3A_7 = arith.constant 0 : index
    %get3A_8 = arith.constant 0 : index
    %get3A_9 = vector.load %arg1[%get3A_7, %get3A_8] : memref<8192x16xf32, #tpu.memory_space<vmem>>, vector<8192x16xf32>
    %broadcast_in_dim3A = vector.shape_cast %dot_general3A_6 : vector<16xf32> to vector<1x16xf32>
    %mul3A = vector.broadcast %broadcast_in_dim3A : vector<1x16xf32> to vector<8192x16xf32>
    %mul3A_10 = arith.mulf %get3A_9, %mul3A : vector<8192x16xf32>
    %reduce_sum3A = arith.constant dense<0.000000e+00> : vector<8192xf32>
    %reduce_sum3A_11 = vector.multi_reduction <add>, %mul3A_10, %reduce_sum3A [1] : vector<8192x16xf32> to vector<8192xf32>
    %swap3A = arith.constant 0 : index
    %swap3A_12 = vector.load %arg4[%swap3A] : memref<8192xf32, #tpu.memory_space<vmem>>, vector<8192xf32>
    tpu.vector_store %arg4[%swap3A], %reduce_sum3A_11 {strides = array<i32>} : memref<8192xf32, #tpu.memory_space<vmem>>, vector<8192xf32>,
    return
  }
  func.func @transform_0(%arg0: i32) -> (i32, i32) {
    %c0_i32 = arith.constant 0 : i32
    %c0_i32_0 = arith.constant 0 : i32
    return %arg0, %c0_i32 : i32, i32
  }
  func.func @transform_1(%arg0: i32) -> (i32, i32) {
    %c0_i32 = arith.constant 0 : i32
    %c0_i32_0 = arith.constant 0 : i32
    %c0_i32_1 = arith.constant 0 : i32
    return %c0_i32, %c0_i32_0 : i32, i32
  }
  func.func @transform_2(%arg0: i32) -> (i32, i32) {
    %c0_i32 = arith.constant 0 : i32
    %c0_i32_0 = arith.constant 0 : i32
    %c0_i32_1 = arith.constant 0 : i32
    return %c0_i32, %c0_i32_0 : i32, i32
  }
  func.func @transform_3(%arg0: i32) -> i32 {
    %c0_i32 = arith.constant 0 : i32
    return %arg0 : i32
  }
}

module attributes {stable_mosaic.version = 14 : i64} {
  func.func @_proj_body(%arg0: memref<5000x128xf32, #tpu.memory_space<vmem>>, %arg1: memref<5000x128xf32, #tpu.memory_space<vmem>>, %arg2: memref<128x128xf32, #tpu.memory_space<vmem>>, %arg3: memref<128x128xf32, #tpu.memory_space<vmem>>, %arg4: memref<1x384xf32, #tpu.memory_space<vmem>>, %arg5: memref<5000x128xf32, #tpu.memory_space<vmem>>, %arg6: memref<5000x16xf32, #tpu.memory_space<vmem>>, %arg7: memref<5000x16xf32, #tpu.memory_space<vmem>>) attributes {dimension_semantics = [], scalar_prefetch = 0 : i64, scratch_operands = 0 : i64, tpu.core_type = #tpu.core_type<tc>} {
    %get3A = arith.constant 0 : index
    %get3A_0 = arith.constant 0 : index
    %get3A_1 = vector.load %arg4[%get3A, %get3A_0] : memref<1x384xf32, #tpu.memory_space<vmem>>, vector<1x128xf32>
    %get3A_2 = vector.shape_cast %get3A_1 : vector<1x128xf32> to vector<128xf32>
    %get3A_3 = arith.constant 0 : index
    %get3A_4 = arith.constant 128 : index
    %get3A_5 = vector.load %arg4[%get3A_3, %get3A_4] : memref<1x384xf32, #tpu.memory_space<vmem>>, vector<1x128xf32>
    %get3A_6 = vector.shape_cast %get3A_5 : vector<1x128xf32> to vector<128xf32>
    %get3A_7 = arith.constant 0 : index
    %get3A_8 = arith.constant 0 : index
    %get3A_9 = vector.load %arg1[%get3A_7, %get3A_8] : memref<5000x128xf32, #tpu.memory_space<vmem>>, vector<5000x128xf32>
    %get3A_10 = arith.constant 0 : index
    %get3A_11 = arith.constant 0 : index
    %get3A_12 = vector.load %arg3[%get3A_10, %get3A_11] : memref<128x128xf32, #tpu.memory_space<vmem>>, vector<128x128xf32>
    %dot_general3A = arith.constant dense<0.000000e+00> : vector<5000x128xf32>
    %dot_general3A_13 = tpu.matmul %get3A_9, %get3A_12, %dot_general3A {dimension_numbers = #tpu.dot_dimension_numbers<[1], [1], [0], [0], [0, 0, 1, 0], [], []>, transpose_lhs_hint = false} : vector<5000x128xf32>, vector<128x128xf32>, vector<5000x128xf32> -> vector<5000x128xf32>
    %swap3A = arith.constant 0 : index
    %swap3A_14 = arith.constant 0 : index
    %swap3A_15 = vector.load %arg5[%swap3A, %swap3A_14] : memref<5000x128xf32, #tpu.memory_space<vmem>>, vector<5000x128xf32>
    tpu.vector_store %arg5[%swap3A, %swap3A_14], %dot_general3A_13 {strides = array<i32>} : memref<5000x128xf32, #tpu.memory_space<vmem>>, vector<5000x128xf32>,
    %dot_general3A_16 = arith.constant dense<0.000000e+00> : vector<5000xf32>
    %dot_general3A_17 = tpu.matmul %dot_general3A_13, %get3A_2, %dot_general3A_16 {dimension_numbers = #tpu.dot_dimension_numbers<[1], [0], [0], [], [0, 0], [], []>, transpose_lhs_hint = false} : vector<5000x128xf32>, vector<128xf32>, vector<5000xf32> -> vector<5000xf32>
    %broadcast_in_dim3A = vector.shape_cast %dot_general3A_17 : vector<5000xf32> to vector<5000x1xf32>
    %broadcast_in_dim3A_18 = vector.shape_cast %broadcast_in_dim3A : vector<5000x1xf32> to vector<5000x1xf32>
    %broadcast_in_dim3A_19 = vector.broadcast %broadcast_in_dim3A_18 : vector<5000x1xf32> to vector<5000x16xf32>
    %swap3A_20 = arith.constant 0 : index
    %swap3A_21 = arith.constant 0 : index
    %swap3A_22 = vector.load %arg6[%swap3A_20, %swap3A_21] : memref<5000x16xf32, #tpu.memory_space<vmem>>, vector<5000x16xf32>
    tpu.vector_store %arg6[%swap3A_20, %swap3A_21], %broadcast_in_dim3A_19 {strides = array<i32>} : memref<5000x16xf32, #tpu.memory_space<vmem>>, vector<5000x16xf32>,
    %get3A_23 = arith.constant 0 : index
    %get3A_24 = arith.constant 0 : index
    %get3A_25 = vector.load %arg2[%get3A_23, %get3A_24] : memref<128x128xf32, #tpu.memory_space<vmem>>, vector<128x128xf32>
    %dot_general3A_26 = arith.constant dense<0.000000e+00> : vector<128xf32>
    %dot_general3A_27 = tpu.matmul %get3A_6, %get3A_25, %dot_general3A_26 {dimension_numbers = #tpu.dot_dimension_numbers<[0], [0], [], [1], [1, 1], [], []>, transpose_lhs_hint = false} : vector<128xf32>, vector<128x128xf32>, vector<128xf32> -> vector<128xf32>
    %get3A_28 = arith.constant 0 : index
    %get3A_29 = arith.constant 0 : index
    %get3A_30 = vector.load %arg0[%get3A_28, %get3A_29] : memref<5000x128xf32, #tpu.memory_space<vmem>>, vector<5000x128xf32>
    %dot_general3A_31 = arith.constant dense<0.000000e+00> : vector<5000xf32>
    %dot_general3A_32 = tpu.matmul %get3A_30, %dot_general3A_27, %dot_general3A_31 {dimension_numbers = #tpu.dot_dimension_numbers<[1], [0], [0], [], [0, 0], [], []>, transpose_lhs_hint = false} : vector<5000x128xf32>, vector<128xf32>, vector<5000xf32> -> vector<5000xf32>
    %broadcast_in_dim3A_33 = vector.shape_cast %dot_general3A_32 : vector<5000xf32> to vector<5000x1xf32>
    %broadcast_in_dim3A_34 = vector.shape_cast %broadcast_in_dim3A_33 : vector<5000x1xf32> to vector<5000x1xf32>
    %broadcast_in_dim3A_35 = vector.broadcast %broadcast_in_dim3A_34 : vector<5000x1xf32> to vector<5000x16xf32>
    %swap3A_36 = arith.constant 0 : index
    %swap3A_37 = arith.constant 0 : index
    %swap3A_38 = vector.load %arg7[%swap3A_36, %swap3A_37] : memref<5000x16xf32, #tpu.memory_space<vmem>>, vector<5000x16xf32>
    tpu.vector_store %arg7[%swap3A_36, %swap3A_37], %broadcast_in_dim3A_35 {strides = array<i32>} : memref<5000x16xf32, #tpu.memory_space<vmem>>, vector<5000x16xf32>,
    return
  }
}

module attributes {stable_mosaic.version = 14 : i64} {
  func.func @_combine_body(%arg0: memref<2x5000x144xf32, #tpu.memory_space<vmem>>, %arg1: memref<5000x128xf32, #tpu.memory_space<vmem>>) attributes {dimension_semantics = [], scalar_prefetch = 0 : i64, scratch_operands = 0 : i64, tpu.core_type = #tpu.core_type<tc>} {
    %get3A = arith.constant 0 : index
    %get3A_0 = arith.constant 0 : index
    %get3A_1 = arith.constant 0 : index
    %get3A_2 = vector.load %arg0[%get3A, %get3A_0, %get3A_1] : memref<2x5000x144xf32, #tpu.memory_space<vmem>>, vector<1x5000x128xf32>
    %get3A_3 = vector.shape_cast %get3A_2 : vector<1x5000x128xf32> to vector<5000x128xf32>
    %get3A_4 = arith.constant 1 : index
    %get3A_5 = arith.constant 0 : index
    %get3A_6 = arith.constant 0 : index
    %get3A_7 = vector.load %arg0[%get3A_4, %get3A_5, %get3A_6] : memref<2x5000x144xf32, #tpu.memory_space<vmem>>, vector<1x5000x128xf32>
    %get3A_8 = vector.shape_cast %get3A_7 : vector<1x5000x128xf32> to vector<5000x128xf32>
    %add3A = arith.addf %get3A_3, %get3A_8 : vector<5000x128xf32>
    %get3A_9 = arith.constant 0 : index
    %get3A_10 = arith.constant 0 : index
    %get3A_11 = arith.constant 128 : index
    %get3A_12 = vector.load %arg0[%get3A_9, %get3A_10, %get3A_11] : memref<2x5000x144xf32, #tpu.memory_space<vmem>>, vector<1x5000x1xf32>
    %get3A_13 = vector.shape_cast %get3A_12 : vector<1x5000x1xf32> to vector<5000xf32>
    %get3A_14 = arith.constant 1 : index
    %get3A_15 = arith.constant 0 : index
    %get3A_16 = arith.constant 128 : index
    %get3A_17 = vector.load %arg0[%get3A_14, %get3A_15, %get3A_16] : memref<2x5000x144xf32, #tpu.memory_space<vmem>>, vector<1x5000x1xf32>
    %get3A_18 = vector.shape_cast %get3A_17 : vector<1x5000x1xf32> to vector<5000xf32>
    %add3A_19 = arith.addf %get3A_13, %get3A_18 : vector<5000xf32>
    %gt3A = arith.constant 0.000000e+00 : f32
    %gt3A_20 = vector.broadcast %gt3A : f32 to vector<5000xf32>
    %gt3A_21 = arith.cmpf ogt, %add3A_19, %gt3A_20 : vector<5000xf32>
    %jit3A = arith.constant 1.000000e+00 : f32
    %broadcast_in_dim3A = vector.broadcast %jit3A : f32 to vector<5000xf32>
    %select_n3A = arith.select %gt3A_21, %add3A_19, %broadcast_in_dim3A : vector<5000xi1>, vector<5000xf32>
    %broadcast_in_dim3A_22 = vector.shape_cast %select_n3A : vector<5000xf32> to vector<5000x1xf32>
    %div3A = vector.broadcast %broadcast_in_dim3A_22 : vector<5000x1xf32> to vector<5000x128xf32>
    %div3A_23 = arith.divf %add3A, %div3A : vector<5000x128xf32>
    %swap3A = arith.constant 0 : index
    %swap3A_24 = arith.constant 0 : index
    %swap3A_25 = vector.load %arg1[%swap3A, %swap3A_24] : memref<5000x128xf32, #tpu.memory_space<vmem>>, vector<5000x128xf32>
    tpu.vector_store %arg1[%swap3A, %swap3A_24], %div3A_23 {strides = array<i32>} : memref<5000x128xf32, #tpu.memory_space<vmem>>, vector<5000x128xf32>,
    return
  }
}

</mosaic_0001>

<sc_bundles>
// kernel: kernel.6.cloned.1.call-start
scs
__scs_entry_jumppad:
0x0: {  	(pc) =	sbr.rel $0x88, $3  }
0x1: {  	(tag) =	ssettag $0x0;
	lr =	simm.s32 $0x1  }
0x2: {  	[smem:$0x3F99] =	sst lr;
	_ =	strace $0xD0000000  }
0x3: {  	_ = 	snop  }
0x4: {  	_ = 	snop  }
0x5: {  	_ = 	snop  }
0x6: {  	_ = 	snop  }
0x7: {  	_ = 	snop  }
__scs_overlays_trampoline_lowered:
0x8: {  	[smem:$0x3FA8] =	sst s0  }
0x9: {  	[smem:$0x3FA9] =	sst s1  }
0xa: {  	[smem:$0x3FAA] =	sst s2  }
0xb: {  	[smem:$0x3FAB] =	sst s3  }
0xc: {  	[smem:$0x3FAC] =	sst s4  }
0xd: {  	[smem:$0x3FAD] =	sst s5  }
0xe: {  	[smem:$0x3FAE] =	sst s6  }
0xf: {  	[smem:$0x3FAF] =	sst s7  }
0x10: {  	[smem:$0x3FB0] =	sst s8  }
0x11: {  	[smem:$0x3FB1] =	sst s9;
	s0 =	simm.s32 @!p0 $0x0  }
0x12: {  	s1 =	sld [smem:$0x3F97];
	s0 =	simm.s32 @p0 $0x1  }
0x13: {  	[smem:$0x3FB2] =	sst s0;
	s0 =	simm.s32 @!p1 $0x0  }
0x14: {  	s2 =	sld [smem:$0x3F96];
	s0 =	simm.s32 @p1 $0x1  }
0x15: {  	[smem:$0x3FB3] =	sst s0;
	s0 =	simm.s32 @!p2 $0x0  }
0x16: {  	s3 =	sld [smem:$0x3FDB];
	s0 =	simm.s32 @p2 $0x1  }
0x17: {  	s4 =	simm.s32 $0x1BF5;
	[smem:$0x3FB5] =	sst s0  }
0x18: {  	s0 =	sld [smem:$0x3F98];
	_ =	swait.ge [sflag:s4], $0x0  }
0x19: {  	s7 =	sld [smem:$0x3F99]  }
0x1a: {  	s8 =	sadd.s32 $0xFFFFE003, lr  }
0x1b: {  	s9 =	sadd.s32 $0xFFFFFEF7, lr;
	s5 =	simm.s32 $0xFFFFFFFF;
	p2 =	slt.u32 s8, $0xFFFFF086  }
0x1c: {  	p1 =	slt.u32 s9, $0xF7A;
	s5 =	simm.s32 @!p2 $0x0  }
0x1d: {  	s5 =	simm.s32 @p1 $0x1;
	p0 =	seq.s32 s7, s2  }
0x1e: {  	s7 =	smul.u32 @!p0 $0xF7A, s2;
	p2 =	seq.s32 @!p0 s5, $0x0  }
0x1f: {  	s9 =	smul.u32 $0xF7A, s1;
	s8 =	simm.s32 @!p0 $0x1BF5;
	p2 =	por !p2, p0  }
0x20: {  	[sflag:s8] =	ssyncset.s32 @!p0 $0xFFFFF086;
	s6 =	sadd.s32 @!p0 s3, s7;
	s7 =	simm.s32 @!p0 $0x108  }
0x21: {  	s3 =	sadd.s32 s3, s9;
	s6 =	sadd.s32 @!p0 $0x88, s6;
	s7 =	simm.s32 @p2 $0x1082  }
0x22: {  	[simem:s7], [sflag:s8] =	dma.local @!p0 [hbm:s6], $0xF7A  }
0x23: {  	s9 =	sor.u32 $0xD0000000, s2;
	s6 =	simm.s32 $0x108;
	_ =	swait.ge @!p0 [sflag:s8], $0x0  }
0x24: {  	s3 =	sadd.s32 $0x88, s3;
	s6 =	simm.s32 @!p1 $0x1082;
	[sflag:s4] =	ssyncset.s32 $0xFFFFF086  }
0x25: {  	[simem:s6], [sflag:s4] =	dma.local [hbm:s3], $0xF7A  }
0x26: {  	[smem:$0x3F99] =	sst s1;
	(tag) =	ssettag s2;
	_ =	strace s9  }
0x27: {  	s1 =	sld [smem:$0x3FA9]  }
0x28: {  	s2 =	sld [smem:$0x3FAA]  }
0x29: {  	s4 =	sld [smem:$0x3FAC]  }
0x2a: {  	p0 =	seq.s32 s5, $0x0;
	s5 =	sld [smem:$0x3FAD]  }
0x2b: {  	s6 =	sld [smem:$0x3FAE]  }
0x2c: {  	s7 =	sld [smem:$0x3FAF]  }
0x2d: {  	s3 =	simm.s32 $0x108;
	s8 =	sld [smem:$0x3FB0]  }
0x2e: {  	s3 =	simm.s32 @!p0 $0x1082;
	s9 =	sld [smem:$0x3FB1]  }
0x2f: {  	lr =	sadd.s32 s0, s3;
	s0 =	sld [smem:$0x3FA8]  }
0x30: {  	s3 =	sld [smem:$0x3FAB]  }
0x31: {  	[smem:$0x3FB4] =	sst s10  }
0x32: {  	s10 =	sld [smem:$0x3FB2];
	_ =	sdelay $0x3  }
0x33: {  	p0 =	seq.s32 s10, $0x1;
	s10 =	sld [smem:$0x3FB4];
	_ =	sdelay $0x3  }
0x34: {  	[smem:$0x3FB4] =	sst s10  }
0x35: {  	s10 =	sld [smem:$0x3FB3];
	_ =	sdelay $0x3  }
0x36: {  	p1 =	seq.s32 s10, $0x1;
	s10 =	sld [smem:$0x3FB4];
	_ =	sdelay $0x3  }
0x37: {  	[smem:$0x3FB4] =	sst s10  }
0x38: {  	s10 =	sld [smem:$0x3FB5]  }
0x39: {  	_ = 	snop;
	(pc) =	sbr.ind lr, $3  }
0x3a: {  	_ = 	snop  }
0x3b: {  	_ = 	snop  }
0x3c: {  	p2 =	seq.s32 s10, $0x1;
	s10 =	sld [smem:$0x3FB4]  }
0x3d: {  	_ =	shalt  }
0x3e: {  	_ =	shalt  }
0x3f: {  	_ =	shalt  }
0x40: {  	_ =	shalt  }
0x41: {  	_ =	shalt  }
0x42: {  	_ =	shalt  }
0x43: {  	_ =	shalt  }
0x44: {  	_ =	shalt  }
0x45: {  	_ =	shalt  }
0x46: {  	_ =	shalt  }
0x47: {  	_ =	shalt  }
0x48: {  	_ =	shalt  }
0x49: {  	_ =	shalt  }
0x4a: {  	_ =	shalt  }
0x4b: {  	_ =	shalt  }
0x4c: {  	_ =	shalt  }
0x4d: {  	_ =	shalt  }
0x4e: {  	_ =	shalt  }
0x4f: {  	_ =	shalt  }
0x50: {  	_ =	shalt  }
0x51: {  	_ =	shalt  }
0x52: {  	_ =	shalt  }
0x53: {  	_ =	shalt  }
0x54: {  	_ =	shalt  }
0x55: {  	_ =	shalt  }
0x56: {  	_ =	shalt  }
0x57: {  	_ =	shalt  }
0x58: {  	_ =	shalt  }
0x59: {  	_ =	shalt  }
0x5a: {  	_ =	shalt  }
0x5b: {  	_ =	shalt  }
0x5c: {  	_ =	shalt  }
0x5d: {  	_ =	shalt  }
0x5e: {  	_ =	shalt  }
0x5f: {  	_ =	shalt  }
0x60: {  	_ =	shalt  }
0x61: {  	_ =	shalt  }
0x62: {  	_ =	shalt  }
0x63: {  	_ =	shalt  }
0x64: {  	_ =	shalt  }
0x65: {  	_ =	shalt  }
0x66: {  	_ =	shalt  }
0x67: {  	_ =	shalt  }
0x68: {  	_ =	shalt  }
0x69: {  	_ =	shalt  }
0x6a: {  	_ =	shalt  }
0x6b: {  	_ =	shalt  }
0x6c: {  	_ =	shalt  }
0x6d: {  	_ =	shalt  }
0x6e: {  	_ =	shalt  }
0x6f: {  	_ =	shalt  }
0x70: {  	_ =	shalt  }
0x71: {  	_ =	shalt  }
0x72: {  	_ =	shalt  }
0x73: {  	_ =	shalt  }
0x74: {  	_ =	shalt  }
0x75: {  	_ =	shalt  }
0x76: {  	_ =	shalt  }
0x77: {  	_ =	shalt  }
0x78: {  	_ =	shalt  }
0x79: {  	_ =	shalt  }
0x7a: {  	_ =	shalt  }
0x7b: {  	_ =	shalt  }
0x7c: {  	_ =	shalt  }
0x7d: {  	_ =	shalt  }
0x7e: {  	_ =	shalt  }
0x7f: {  	_ =	shalt  }
0x80: {  	_ =	shalt  }
0x81: {  	_ =	shalt  }
0x82: {  	_ =	shalt  }
0x83: {  	_ =	shalt  }
0x84: {  	_ =	shalt  }
0x85: {  	_ =	shalt  }
0x86: {  	_ =	shalt  }
0x87: {  	_ =	shalt  }
.Lfunc_end0:
.L_simem_size_0:
called_computation_lowered:
.L_overlay_start_0:
0x88: {  	s2 =	sld [smem:$0x3FD9]  }
0x89: {  	s3 =	sld [smem:$0x3FFE];
	_ =	sdelay $0x1  }
0x8a: {  	s1 =	srdreg.scid  }
0x8b: {  	s0 =	sand.u32 $0x1, s1  }
0x8c: {  	s17 =	sshll.u32 s0, $0xA;
	s2 =	sadd.s32 s3, s2  }
0x8d: {  	s2 =	sadd.s32 s2, s17  }
0x8e: {  	[smem:$0x3FC0] =	sst s2  }
0x8f: {  	_ = 	snop  }
0x90: {  	s2 =	sld [smem:$0x3FD0];
	(tm) =	ssettm $0x1  }
0x91: {  	s18 =	sld [smem:$0x3FFB];
	_ =	sdelay $0x3  }
0x92: {  	_ =	strace s18  }
0x93: {  	s3 =	sld [smem:$0x3FFC];
	_ =	sdelay $0x3  }
0x94: {  	_ =	strace s3  }
0x95: {  	s3 =	sld [smem:$0x3FFD];
	_ =	sdelay $0x3  }
0x96: {  	_ =	strace s3  }
0x97: {  	_ =	strace $0x8FFFFFFF  }
0x98: {  	s19 =	sld [smem:$0x3FDB];
	_ =	sdelay $0x1  }
0x99: {  	s4 =	simm.s32 $_scs_section_size  }
0x9a: {  	s5 =	simm.s32 $_size__tile_overlayer_lowered;
	s6 =	simm.s32 $_tile_overlayer_lowered  }
0x9b: {  	s22 =	simm.s32 $0x1BFF;
	s21 =	sshll.u32 s6, $0x1;
	s3 =	sadd.s32 s4, s19  }
0x9c: {  	s7 =	simm.s32 $0x0;
	s20 =	sshll.u32 s5, $0x1;
	s5 =	sadd.s32 s21, s3  }
0x9d: {  	[timem:s7], [sflag:s22] =	dma.local [hbm:s5], s20  }
0x9e: {  	_ =	swait.ge [sflag:s22], s20  }
0x9f: {  	s4 =	ssub.s32 $0x0, s20;
	[sflag:s22] =	ssyncset.done $0x0  }
0xa0: {  	[sflag:s22] =	ssyncadd.s32 s4;
	_ =	sdelay $0x1  }
0xa1: {  	s23 =	simm.s32 $0x1B8B  }
0xa2: {  	_ =	swait.ge [sflag:s23], $0x1  }
0xa3: {  	[sflag:s23] =	ssyncset.done $0x0  }
0xa4: {  	s25 =	simm.s32 $0x1B8E;
	s24 =	sld [smem:$0x3FFE];
	[sflag:s23] =	ssyncadd.s32 $0xFFFFFFFF  }
0xa5: {  	s26 =	simm.s32 $execute0_lowered;
	[smem:$0x3FD2] =	sst s25  }
0xa6: {  	s5 =	sshll.u32 s26, $0x1;
	_ =	strace $0x80000046;
	[dreg:$0x1] =	wrdreg $0xFFFFFFFF  }
0xa7: {  	s28 =	simm.s32 $_size_execute0_lowered;
	s3 =	sadd.s32 s3, s5;
	[dreg:$0x0] =	wrdreg $0x0  }
0xa8: {  	s5 =	sshll.u32 s28, $0x1;
	[dreg:$0x2] =	wrdreg s3  }
0xa9: {  	[dreg:$0x3] =	wrdreg s5  }
0xaa: {  	[dreg:$0x4] =	wrdreg $0xC0  }
0xab: {  	_ =	task [dreg:s7], $0x5FFFF  }
0xac: {  	[dreg:$0x1] =	wrdreg $0xFFFFFFFF  }
0xad: {  	[dreg:$0x0] =	wrdreg $0x60  }
0xae: {  	[dreg:$0x2] =	wrdreg s24  }
0xaf: {  	[dreg:$0x3] =	wrdreg s2  }
0xb0: {  	[dreg:$0x4] =	wrdreg $0x66000  }
0xb1: {  	[dreg:$0x5] =	wrdreg $0x9  }
0xb2: {  	_ =	task.clear_ibuf [dreg:s7], $0x6FFFF;
	_ =	strace $0x90000046  }
0xb3: {  	s29 =	simm.s32 $0x9;
	_ =	strace $0x80000048  }
0xb4: {  	_ =	swait.ge [sflag:s29], $0x1  }
0xb5: {  	[sflag:s29] =	ssyncadd.s32 $0xFFFFFFFF  }
0xb6: {  	_ =	strace $0x90000048  }
0xb7: {  	_ =	sfence  }
0xb8: {  	s30 =	sld [smem:$0x0];
	_ =	sdelay $0x2  }
0xb9: {  	s31 =	sshll.u32 s1, $0xD;
	s1 =	sshrl.u32 s1, $0x2  }
0xba: {  	s3 =	sand.u32 $0x4000, s31;
	s1 =	sadd.s32 s1, s30  }
0xbb: {  	s0 =	sor.u32 s3, s0;
	s1 =	sshll.u32 s1, $0x11  }
0xbc: {  	s0 =	sor.u32 s1, s0  }
0xbd: {  	s0 =	sadd.s32 $0x8F2B, s0  }
0xbe: {  	[sflag:s0] =	ssyncadd.remote.s32 $0x1  }
0xbf: {  	_ =	sfence.sel $0xFFFF  }
0xc0: {  	[dreg:$0x0] =	wrdreg $0xFFFFFFFF;
	(pc) =	sbr.abs _section_cstart, $3  }
0xc1: {  	[dreg:$0x1] =	wrdreg $0xFFFFFFFF  }
0xc2: {  	_ =	task.clear_ibuf [dreg:s7], $0x2FFFF;
	_ =	strace $0x9FFFFFFF  }
0xc3: {  	(tm) =	ssettm $0x7FFFFFFF  }
tec
execute0_lowered:
.L_overlay_start_1:
0x0: {  	(tag) =	ssettag $0x1  }
0x1: {  	s0 =	rddreg [dreg:$0x0]  }
0x2: {  	s1 =	rddreg [dreg:$0x1]  }
0x3: {  	s2 =	rddreg [dreg:$0x2];
	s3 =	simm.s32 $0x0;
	s5 =	srdreg.scid  }
0x4: {  	s9 =	stileid.u32;
	s17 =	simm.s32 $0x5;
	s18 =	simm.s32 $0x50  }
0x5: {  	s19 =	simm.s32 $0xA0;
	s20 =	simm.s32 $0x600;
	s21 =	simm.s32 $0x100  }
0x6: {  	s22 =	simm.s32 $0x1;
	s28 =	simm.s32 $0x3350;
	s29 =	simm.s32 $0x3900  }
0x7: {  	s30 =	simm.s32 $0x0;
	[smem:$0x7FF] =	sst s3;
	s4 =	sadd.s32 $0xA00, s0  }
0x8: {  	s7 =	sand.u32 $0x1, s5;
	s6 =	sshll.u32 s9, $0x1;
	s5 =	sadd.s32 $0xA800, s0  }
0x9: {  	s12 =	sadd.s32 $0x2CE00, s0;
	p0 =	sne.s32 s9, $0x0;
	_ =	strace $0x80000047  }
0xa: {  	s10 =	smul.u32 $0x15F90, s7;
	s8 =	sor.u32 s7, s6;
	s6 =	sadd.s32 $0x14600, s0  }
0xb: {  	s11 =	ssub.s32 $0x2, s7;
	[dreg:$0x4] =	wrdreg s12;
	s16 =	sshrl.u32 @!p0 s2, $0x3  }
0xc: {  	s7 =	smul.u32 $0x2710, s8;
	s8 =	sadd.s32 $0x2A600, s0;
	s23 =	sshrl.u32 s11, $0x1  }
0xd: {  	s0 =	sadd.s32 s10, s0;
	s24 =	ssub.s32 s11, s23;
	s23 =	simm.s32 $0x3  }
.Ltmp0:
0xe: {  	s25 =	sshrl.u32 s7, $0x3;
	s0 =	sadd.s32 $0x42E00, s0;
	(pc) =	sbr.rel .LBB2_1-.Ltmp0, $4  }
0xf: {  	s13 =	sadd.s32 $0x50, s7;
	s26 =	sadd.s32 s4, s25;
	[dreg:$0x8] =	wrdreg s0  }
0x10: {  	s15 =	smax.u32 s24, $0x1;
	s31 =	sadd.s32 s1, s25;
	[dreg:$0x5] =	wrdreg s26  }
0x11: {  	s24 =	simm.s32 $0x6;
	s11 =	sadd.s32 s5, s25;
	[dreg:$0x6] =	wrdreg s31  }
0x12: {  	s25 =	simm.s32 $0x2;
	[dreg:$0x7] =	wrdreg s11;
	s26 =	simm.s32 $0x4  }
.LBB2_10:
0x13: {  	[bflag:$0x0] =	sbarrier.arrive $0xFFFF;
	s30 =	sadd.s32 $0x1, s30  }
0x14: {  	s0 =	simm.s32 @!p0 $0x1C05;
	s9 =	rddreg [dreg:$0x8];
	p1 =	sne.s32 s30, s15  }
0x15: {  	[hbm:s9], [sflag:s0] =	dma.local @!p0 [spmem:s16], $0x15F90  }
.Ltmp1:
0x16: {  	_ = 	snop;
	(pc) =	sbr.rel @!p1 .LBB2_11-.Ltmp1, $4  }
0x17: {  	s0 =	simm.s32 @!p0 $0x5  }
0x18: {  	_ =	swait.ge @!p0 [sflag:s0], $0x15F90  }
0x19: {  	[sflag:s0] =	ssyncset.done @!p0 $0x0  }
0x1a: {  	[sflag:s0] =	ssyncadd.s32 @!p0 $0xFFFEA070  }
.LBB2_1:
0x1b: {  	s0 =	simm.s32 @!p0 $0x1C05;
	s9 =	rddreg [dreg:$0x4]  }
0x1c: {  	[spmem:s16], [sflag:s0] =	dma.local @!p0 [hbm:s9], $0x15F90  }
0x1d: {  	s0 =	simm.s32 @!p0 $0x5  }
0x1e: {  	_ =	swait.ge @!p0 [sflag:s0], $0x15F90  }
0x1f: {  	[sflag:s0] =	ssyncset.done @!p0 $0x0  }
0x20: {  	[sflag:s0] =	ssyncadd.s32 @!p0 $0xFFFEA070  }
0x21: {  	[bflag:$0x0] =	sbarrier.arrive $0xFFFF  }
0x22: {  	s11 =	rddreg [dreg:$0x5]  }
0x23: {  	[tilespmem:s3], [sflag:$0x5] =	stream.linear.gather [hbm4b:s11+s3], $0x50, $0x38;
	[tilespmem:$0x115C8] =	vst v63  }
0x24: {  	_ =	swait.ge [sflag:s17], $0x50  }
0x25: {  	[sflag:s17] =	ssyncset.done $0x0  }
0x26: {  	s12 =	rddreg [dreg:$0x6];
	[sflag:s17] =	ssyncadd.s32 $0xFFFFFFB0  }
0x27: {  	[tilespmem:s18], [sflag:$0x5] =	stream.linear.gather [hbm4b:s12+s3], $0x50, $0x38;
	[tilespmem:$0x115C8] =	vst v63  }
0x28: {  	_ =	swait.ge [sflag:s17], $0x50  }
0x29: {  	[sflag:s17] =	ssyncset.done $0x0  }
0x2a: {  	s14 =	rddreg [dreg:$0x7];
	[sflag:s17] =	ssyncadd.s32 $0xFFFFFFB0  }
0x2b: {  	[tilespmem:s19], [sflag:$0x5] =	stream.linear.gather [hbm4b:s14+s3], $0x50, $0x38;
	[tilespmem:$0x115C8] =	vst v63  }
0x2c: {  	_ =	swait.ge [sflag:s17], $0x50  }
.Ltmp2:
0x2d: {  	[sflag:s17] =	ssyncset.done $0x0;
	(pc) =	sbr.rel .LBB2_2-.Ltmp2, $4  }
0x2e: {  	[sflag:s17] =	ssyncadd.s32 $0xFFFFFFB0  }
0x2f: {  	[tilespmem:s20], [sflag:$0x1] =	stream.indirect.gather [hbm4b:s6+s18], $0x90, s3, s18, $0xb8;
	[tilespmem:$0x115C8] =	vst v63  }
0x30: {  	s31 =	simm.s32 $0x0  }
0x31: {  	[tilespmem:s21], [sflag:$0x3] =	stream.indirect.gather [hbm4b:s8+s18], $0x10, s18, s18, $0xb8;
	[tilespmem:$0x115C8] =	vst v63  }
.LBB2_8:
0x32: {  	[tilespmem:s0+$0x70] =	vst v7  }
0x33: {  	[tilespmem:s0+$0x90] =	vst v8  }
0x34: {  	[tilespmem:s0+$0xA0] =	vst v6  }
0x35: {  	[tilespmem:s0+$0xB0] =	vst v9  }
0x36: {  	[tilespmem:s0+$0xC0] =	vst v10  }
0x37: {  	[tilespmem:s0+$0xD0] =	vst v11  }
0x38: {  	[tilespmem:s0+$0xE0] =	vst v12  }
0x39: {  	[tilespmem:s0+$0xF0] =	vst v13  }
0x3a: {  	[tilespmem:s0+$0x100] =	vst v14  }
0x3b: {  	[tilespmem:s0+$0x120] =	vst v16  }
0x3c: {  	[tilespmem:s0+$0x130] =	vst v15  }
0x3d: {  	[tilespmem:s0+$0x140] =	vst v18  }
0x3e: {  	[tilespmem:s0+$0x150] =	vst v17  }
0x3f: {  	[tilespmem:s0+$0x160] =	vst v19  }
0x40: {  	[tilespmem:s0+$0x170] =	vst v20  }
0x41: {  	[tilespmem:s0+$0x180] =	vst v21  }
0x42: {  	[tilespmem:s0+$0x190] =	vst v22  }
0x43: {  	[tilespmem:s0+$0x1B0] =	vst v23  }
0x44: {  	[tilespmem:s0+$0x1C0] =	vst v24  }
0x45: {  	[tilespmem:s0+$0xFFFFFF60] =	vst v1  }
0x46: {  	[tilespmem:s0+$0xFFFFFFF0] =	vst v2  }
0x47: {  	[tilespmem:s0+$0x80] =	vst v3  }
0x48: {  	v59 =	vmul.f32 v0, v25;
	[tilespmem:s0+$0x110] =	vst v4  }
0x49: {  	v60 =	vmul.f32 v26, v0;
	[tilespmem:s0+$0x1A0] =	vst v5  }
0x4a: {  	v61 =	vmul.f32 v27, v0;
	[tilespmem:s0+$0x1D0] =	vst v59  }
0x4b: {  	v62 =	vmul.f32 v28, v0;
	[tilespmem:s0+$0x1E0] =	vst v60  }
0x4c: {  	v63 =	vmul.f32 v29, v0;
	[tilespmem:s0+$0x1F0] =	vst v61  }
0x4d: {  	[tilespmem:s0+$0x200] =	vst v62  }
0x4e: {  	[tilespmem:s0+$0x210] =	vst v63;
	s0 =	simm.s32 $0x5  }
0x4f: {  	[spmem:s2] =	stream.indirect.scatter.add.f32 [tilespmem:s29], [sflag:$0x5], $0x90, s28, s18, $0xb8;
	[tilespmem:$0x115C8] =	vst v63  }
.LBB2_9:
0x50: {  	s31 =	sadd.s32 $0x1, s31  }
0x51: {  	p1 =	sne.s32 s31, $0x7D  }
.Ltmp3:
0x52: {  	_ = 	snop;
	(pc) =	sbr.rel @!p1 .LBB2_10-.Ltmp3, $4  }
0x53: {  	_ = 	snop  }
0x54: {  	_ =	swait.ge [sflag:s0], $0x2D00  }
0x55: {  	[sflag:s0] =	ssyncset.done $0x0  }
0x56: {  	[sflag:s0] =	ssyncadd.s32 $0xFFFFD300  }
.LBB2_2:
0x57: {  	s0 =	sand.u32 $0x1, s31  }
0x58: {  	p1 =	seq.s32 s0, $0x1  }
.Ltmp4:
0x59: {  	_ = 	snop;
	(pc) =	sbr.rel @p1 .LBB2_6-.Ltmp4, $1  }
0x5a: {  	_ =	sdelay $0x3  }
0x5b: {  	s0 =	sor.u32 $0x1, s31  }
0x5c: {  	p1 =	sgt.u32 s0, $0x7C  }
0x5d: {  	s0 =	smul.u32 @!p1 $0x50, s0;
	_ =	sdelay $0x1  }
0x5e: {  	s0 =	sadd.s32 @!p1 s7, s0  }
0x5f: {  	s0 =	sshrl.u32 @!p1 s0, $0x3  }
0x60: {  	s10 =	simm.s32 @!p1 $0x0;
	s11 =	simm.s32 @!p1 $0x3300;
	s9 =	sadd.s32 @!p1 s4, s0  }
0x61: {  	[tilespmem:s11], [sflag:$0x6] =	stream.linear.gather @!p1 [hbm4b:s9+s10], $0x50, $0x38;
	[tilespmem:$0x115C8] =	vst v63  }
0x62: {  	s9 =	simm.s32 @!p1 $0x6  }
0x63: {  	_ =	swait.ge @!p1 [sflag:s9], $0x50  }
0x64: {  	[sflag:s9] =	ssyncset.done @!p1 $0x0  }
0x65: {  	s14 =	simm.s32 @!p1 $0x3350;
	s12 =	sadd.s32 @!p1 s1, s0;
	[sflag:s9] =	ssyncadd.s32 @!p1 $0xFFFFFFB0  }
0x66: {  	[tilespmem:s14], [sflag:$0x6] =	stream.linear.gather @!p1 [hbm4b:s12+s10], $0x50, $0x38;
	[tilespmem:$0x115C8] =	vst v63  }
0x67: {  	_ =	swait.ge @!p1 [sflag:s9], $0x50  }
0x68: {  	[sflag:s9] =	ssyncset.done @!p1 $0x0  }
0x69: {  	s0 =	sadd.s32 @!p1 s5, s0;
	s12 =	simm.s32 @!p1 $0x33A0;
	[sflag:s9] =	ssyncadd.s32 @!p1 $0xFFFFFFB0  }
0x6a: {  	[tilespmem:s12], [sflag:$0x6] =	stream.linear.gather @!p1 [hbm4b:s0+s10], $0x50, $0x38;
	[tilespmem:$0x115C8] =	vst v63  }
0x6b: {  	_ =	swait.ge @!p1 [sflag:s9], $0x50  }
0x6c: {  	[sflag:s9] =	ssyncset.done @!p1 $0x0  }
0x6d: {  	s0 =	simm.s32 @!p1 $0x50;
	[sflag:s9] =	ssyncadd.s32 @!p1 $0xFFFFFFB0;
	s9 =	simm.s32 @!p1 $0x3900  }
0x6e: {  	[tilespmem:s9], [sflag:$0x2] =	stream.indirect.gather @!p1 [hbm4b:s6+s0], $0x90, s11, s0, $0xb8;
	[tilespmem:$0x115C8] =	vst v63  }
0x6f: {  	s9 =	simm.s32 @!p1 $0x3400  }
0x70: {  	[tilespmem:s9], [sflag:$0x4] =	stream.indirect.gather @!p1 [hbm4b:s8+s0], $0x10, s14, s0, $0xb8;
	[tilespmem:$0x115C8] =	vst v63  }
0x71: {  	_ =	swait.ge [sflag:s22], $0x2D00  }
0x72: {  	[sflag:s22] =	ssyncset.done $0x0  }
0x73: {  	[sflag:s22] =	ssyncadd.s32 $0xFFFFD300  }
0x74: {  	_ =	swait.ge [sflag:s23], $0x500  }
0x75: {  	[sflag:s23] =	ssyncset.done $0x0  }
0x76: {  	s0 =	simm.s32 $0x840;
	[sflag:s23] =	ssyncadd.s32 $0xFFFFFB00  }
0x77: {  	s9 =	simm.s32 $0x140;
	v0 =	vld [tilespmem:s0+$0x230]  }
0x78: {  	s10 =	simm.s32 $0xA4;
	v1 =	vld [tilespmem:s9+$0x30]  }
0x79: {  	v2 =	vld.msk [tilespmem:s10+$0x3 ss:$0x0], $0xffff  }
0x7a: {  	v3 =	vld [tilespmem:s9+$0xFFFFFFC0]  }
0x7b: {  	v4 =	vld [tilespmem:s0+$0xFFFFFED0]  }
0x7c: {  	v5 =	vld [tilespmem:s9+$0xFFFFFFD0]  }
0x7d: {  	v6 =	vld [tilespmem:s0+$0xFFFFFF60]  }
0x7e: {  	v7 =	vld [tilespmem:s9+$0xFFFFFFE0]  }
0x7f: {  	v8 =	vld [tilespmem:s0+$0xFFFFFFF0]  }
0x80: {  	v9 =	vld [tilespmem:s9+$0xFFFFFFF0]  }
0x81: {  	v10 =	vld [tilespmem:s0+$0x80]  }
0x82: {  	v11 =	vld [tilespmem:s9+$0x0]  }
0x83: {  	v12 =	vld [tilespmem:s0+$0x110]  }
0x84: {  	v13 =	vld [tilespmem:s9+$0x10]  }
0x85: {  	v14 =	vld [tilespmem:s0+$0x1A0]  }
0x86: {  	v15 =	vld [tilespmem:s9+$0x20]  }
0x87: {  	v16 =	vld [tilespmem:s0+$0xFFFFFE40]  }
0x88: {  	v17 =	vld.msk [tilespmem:s10+$0xFFFFFFFC ss:$0x0], $0xffff  }
0x89: {  	v18 =	vld.msk [tilespmem:s10+$0xFFFFFFFD ss:$0x0], $0xffff  }
0x8a: {  	v19 =	vld.msk [tilespmem:s10+$0xFFFFFFFE ss:$0x0], $0xffff  }
0x8b: {  	v20 =	vld [tilespmem:s0+$0x220]  }
0x8c: {  	v21 =	vld.msk [tilespmem:s10+$0xFFFFFFFF ss:$0x0], $0xffff  }
0x8d: {  	v22 =	vld.msk [tilespmem:s10+$0x0 ss:$0x0], $0xffff  }
0x8e: {  	v23 =	vld.msk [tilespmem:s10+$0x1 ss:$0x0], $0xffff  }
0x8f: {  	v24 =	vld.msk [tilespmem:s10+$0x2 ss:$0x0], $0xffff  }
0x90: {  	v25 =	vld [tilespmem:s0+$0xFFFFFDE0];
	v0 =	vadd.f32 v1, v0  }
0x91: {  	v27 =	vld [tilespmem:s0+$0xFFFFFE30]  }
0x92: {  	v28 =	vld [tilespmem:s0+$0xFFFFFE50];
	v3 =	vadd.f32 v3, v16;
	v0 =	vadd.f32 v2, v0  }
0x93: {  	v29 =	vld [tilespmem:s0+$0xFFFFFE80]  }
0x94: {  	v30 =	vld [tilespmem:s0+$0xFFFFFE90];
	v3 =	vadd.f32 v17, v3;
	v26 =	vmul.f32 $9.999999770e-03, v0  }
0x95: {  	v31 =	vld [tilespmem:s0+$0xFFFFFEB0];
	vm0 =	vgt.f32 v0, $0.0e+00  }
0x96: {  	v32 =	vld [tilespmem:s0+$0xFFFFFEC0];
	v0 =	vsel vm0, v0, v26;
	v26 =	vmul.f32 $9.999999770e-03, v3  }
0x97: {  	v33 =	vld [tilespmem:s0+$0xFFFFFEE0];
	v4 =	vadd.f32 v5, v4;
	vm10 =	vgt.f32 v3, $0.0e+00;
	v0 =	vmul.f32 $1.442695020e+00, v0  }
0x98: {  	v34 =	vld [tilespmem:s0+$0xFFFFFEF0];
	v3 =	vsel vm10, v3, v26  }
0x99: {  	v35 =	vld [tilespmem:s0+$0xFFFFFF00];
	v4 =	vadd.f32 v18, v4;
	(erf) = vpow2.f32 v0;
	v3 =	vmul.f32 $1.442695020e+00, v3  }
0x9a: {  	v37 =	vld [tilespmem:s0+$0xFFFFFF40]  }
0x9b: {  	v40 =	vld [tilespmem:s0+$0xFFFFFF50];
	v0 =	vmul.f32 $9.999999770e-03, v4;
	(erf) = vpow2.f32 v3  }
0x9c: {  	v41 =	vld [tilespmem:s0+$0xFFFFFF70];
	vm1 =	vgt.f32 v4, $0.0e+00  }
0x9d: {  	v58 =	vld [tilespmem:s0+$0x150];
	v0 =	vsel vm1, v4, v0  }
0x9e: {  	v60 =	vld [tilespmem:s0+$0x160];
	v0 =	vmul.f32 $1.442695020e+00, v0  }
0x9f: {  	v62 =	vld [tilespmem:s0+$0x170]  }
0xa0: {  	v1 =	vld [tilespmem:s0+$0xFFFFFDC0]  }
0xa1: {  	v2 =	vld [tilespmem:s0+$0xFFFFFDD0]  }
0xa2: {  	v63 =	vld [tilespmem:s0+$0x1C0];
	(erf) = vpow2.f32 v0;
	v0 =	vpop (erf)  }
0xa3: {  	v5 =	vld [tilespmem:s0+$0xFFFFFE00];
	v6 =	vadd.f32 v7, v6;
	v20 =	vmul.f32 v20, v0  }
0xa4: {  	v16 =	vld [tilespmem:s0+$0xFFFFFDF0];
	[tilespmem:s0+$0x230] =	vst v0;
	v36 =	vpop (erf)  }
0xa5: {  	v7 =	vld [tilespmem:s0+$0xFFFFFF10];
	v6 =	vadd.f32 v19, v6;
	[tilespmem:s0+$0x220] =	vst v20;
	v1 =	vmul.f32 v36, v1  }
0xa6: {  	v17 =	vld [tilespmem:s0+$0xFFFFFE10];
	[tilespmem:s0+$0xFFFFFE40] =	vst v36;
	v2 =	vmul.f32 v36, v2  }
0xa7: {  	v18 =	vld [tilespmem:s0+$0xFFFFFE20];
	v39 =	vmul.f32 $9.999999770e-03, v6;
	v25 =	vmul.f32 v36, v25;
	[tilespmem:s0+$0xFFFFFDC0] =	vst v1  }
0xa8: {  	v12 =	vadd.f32 v13, v12;
	v19 =	vld [tilespmem:s0+$0xFFFFFF30];
	vm11 =	vgt.f32 v6, $0.0e+00;
	v5 =	vmul.f32 v5, v36;
	[tilespmem:s0+$0xFFFFFDD0] =	vst v2  }
0xa9: {  	v10 =	vadd.f32 v11, v10;
	v4 =	vld [tilespmem:s0+$0xFFFFFE70];
	v11 =	vmul.f32 v27, v36;
	v1 =	vsel vm11, v6, v39;
	[tilespmem:s0+$0xFFFFFDE0] =	vst v25  }
0xaa: {  	v12 =	vadd.f32 v23, v12;
	v23 =	vld [tilespmem:s0+$0x50];
	[tilespmem:s0+$0xFFFFFE00] =	vst v5;
	v1 =	vmul.f32 $1.442695020e+00, v1  }
0xab: {  	v3 =	vld [tilespmem:s0+$0xFFFFFEA0];
	v38 =	vpop (erf);
	v6 =	vmul.f32 v16, v36;
	v2 =	vadd.f32 v9, v8;
	[tilespmem:s0+$0xFFFFFE30] =	vst v11  }
0xac: {  	v26 =	vld [tilespmem:s0+$0xFFFFFE60];
	[tilespmem:s0+$0xFFFFFED0] =	vst v38;
	(erf) = vpow2.f32 v1;
	v1 =	vmul.f32 v18, v36  }
0xad: {  	v20 =	vld [tilespmem:s0+$0xFFFFFF20];
	v9 =	vmul.f32 v17, v36;
	[tilespmem:s0+$0xFFFFFDF0] =	vst v6;
	v2 =	vadd.f32 v21, v2  }
0xae: {  	v27 =	vld [tilespmem:s0+$0xF0];
	v4 =	vmul.f32 v38, v4;
	[tilespmem:s0+$0xFFFFFE20] =	vst v1;
	v1 =	vadd.f32 v22, v10  }
0xaf: {  	v14 =	vadd.f32 v15, v14;
	v16 =	vld [tilespmem:s0+$0xFFFFFF80];
	v15 =	vmul.f32 v30, v38;
	[tilespmem:s0+$0xFFFFFE10] =	vst v9;
	v17 =	vmul.f32 $9.999999770e-03, v2  }
0xb0: {  	v8 =	vld [tilespmem:s0+$0xFFFFFF90];
	v3 =	vmul.f32 v3, v38;
	[tilespmem:s0+$0xFFFFFE70] =	vst v4;
	vm12 =	vgt.f32 v2, $0.0e+00;
	v13 =	vmul.f32 $9.999999770e-03, v1  }
0xb1: {  	v5 =	vld [tilespmem:s0+$0xFFFFFFB0];
	v18 =	vmul.f32 v38, v28;
	[tilespmem:s0+$0xFFFFFE90] =	vst v15;
	v2 =	vsel vm12, v2, v17;
	vm13 =	vgt.f32 v1, $0.0e+00  }
0xb2: {  	v11 =	vld [tilespmem:s0+$0xFFFFFFE0];
	[tilespmem:s0+$0xFFFFFEA0] =	vst v3;
	v10 =	vmul.f32 v38, v26;
	v2 =	vmul.f32 $1.442695020e+00, v2;
	v1 =	vsel vm13, v1, v13  }
0xb3: {  	v25 =	vld [tilespmem:s0+$0x60];
	[tilespmem:s0+$0xFFFFFE50] =	vst v18;
	v22 =	vmul.f32 v32, v38  }
0xb4: {  	v6 =	vld [tilespmem:s0+$0xFFFFFFA0];
	v3 =	vadd.f32 v24, v14;
	[tilespmem:s0+$0xFFFFFE60] =	vst v10;
	(erf) = vpow2.f32 v2;
	v2 =	vmul.f32 v31, v38  }
0xb5: {  	v9 =	vld [tilespmem:s0+$0xFFFFFFC0];
	v18 =	vmul.f32 v29, v38;
	[tilespmem:s0+$0xFFFFFEC0] =	vst v22;
	v15 =	vmul.f32 $1.442695020e+00, v1;
	v1 =	vpop (erf)  }
0xb6: {  	vm14 =	vgt.f32 v12, $0.0e+00;
	v21 =	vld [tilespmem:s0+$0xFFFFFFD0];
	v22 =	vmul.f32 $9.999999770e-03, v3;
	[tilespmem:s0+$0xFFFFFEB0] =	vst v2;
	v2 =	vmul.f32 v1, v34  }
0xb7: {  	v4 =	vld [tilespmem:s0+$0x20];
	v14 =	vmul.f32 $9.999999770e-03, v12;
	vm15 =	vgt.f32 v3, $0.0e+00;
	[tilespmem:s0+$0xFFFFFE80] =	vst v18;
	v24 =	vmul.f32 v1, v33  }
0xb8: {  	v28 =	vld [tilespmem:s0+$0x100];
	(erf) = vpow2.f32 v15;
	v26 =	vmul.f32 v1, v35;
	[tilespmem:s0+$0xFFFFFEF0] =	vst v2;
	v2 =	vsel vm15, v3, v22  }
0xb9: {  	v12 =	vsel vm14, v12, v14;
	v14 =	vld [tilespmem:s0+$0xA0];
	v7 =	vmul.f32 v7, v1;
	[tilespmem:s0+$0xFFFFFEE0] =	vst v24;
	v2 =	vmul.f32 $1.442695020e+00, v2  }
0xba: {  	v17 =	vld [tilespmem:s0+$0x0];
	v19 =	vmul.f32 v19, v1;
	v3 =	vmul.f32 $1.442695020e+00, v12;
	[tilespmem:s0+$0xFFFFFF00] =	vst v26  }
0xbb: {  	v10 =	vld [tilespmem:s0+$0x10];
	v12 =	vmul.f32 v20, v1;
	[tilespmem:s0+$0xFFFFFF10] =	vst v7  }
0xbc: {  	v18 =	vld [tilespmem:s0+$0x30];
	v7 =	vmul.f32 v40, v1;
	[tilespmem:s0+$0xFFFFFF30] =	vst v19;
	(erf) = vpow2.f32 v3  }
0xbd: {  	v13 =	vld [tilespmem:s0+$0x40];
	v3 =	vmul.f32 v37, v1;
	[tilespmem:s0+$0xFFFFFF20] =	vst v12;
	(erf) = vpow2.f32 v2;
	v2 =	vpop (erf)  }
0xbe: {  	v15 =	vld [tilespmem:s0+$0x70];
	[tilespmem:s0+$0xFFFFFF50] =	vst v7;
	v26 =	vmul.f32 v2, v41;
	v16 =	vmul.f32 v2, v16  }
0xbf: {  	v24 =	vld [tilespmem:s0+$0x90];
	[tilespmem:s0+$0xFFFFFF40] =	vst v3;
	v8 =	vmul.f32 v2, v8;
	v6 =	vmul.f32 v6, v2  }
0xc0: {  	v20 =	vld [tilespmem:s0+$0xB0];
	v5 =	vmul.f32 v5, v2;
	v9 =	vmul.f32 v9, v2;
	[tilespmem:s0+$0xFFFFFF70] =	vst v26  }
0xc1: {  	v22 =	vld [tilespmem:s0+$0xC0];
	v3 =	vpop (erf);
	v21 =	vmul.f32 v21, v2;
	v11 =	vmul.f32 v11, v2;
	[tilespmem:s0+$0xFFFFFF80] =	vst v16  }
0xc2: {  	v19 =	vld [tilespmem:s0+$0xE0];
	v31 =	vmul.f32 v3, v4;
	v57 =	vmul.f32 v18, v3;
	[tilespmem:s0+$0xFFFFFF90] =	vst v8  }
0xc3: {  	v12 =	vld [tilespmem:s0+$0xD0];
	v59 =	vmul.f32 v13, v3;
	v23 =	vmul.f32 v23, v3;
	[tilespmem:s0+$0xFFFFFFA0] =	vst v6  }
0xc4: {  	v29 =	vld [tilespmem:s0+$0x130];
	v61 =	vmul.f32 v25, v3;
	v7 =	vmul.f32 v15, v3;
	[tilespmem:s0+$0xFFFFFFB0] =	vst v5  }
0xc5: {  	v26 =	vld [tilespmem:s0+$0x120];
	v16 =	vmul.f32 v3, v17;
	v17 =	vmul.f32 v3, v10;
	[tilespmem:s0+$0xFFFFFFC0] =	vst v9;
	v4 =	vpop (erf)  }
0xc6: {  	v30 =	vld [tilespmem:s0+$0x140];
	[tilespmem:s0+$0xFFFFFFD0] =	vst v21;
	v8 =	vmul.f32 v4, v24;
	v6 =	vmul.f32 v4, v14  }
0xc7: {  	v21 =	vld [tilespmem:s0+$0x180];
	[tilespmem:s0+$0xFFFFFFE0] =	vst v11;
	v9 =	vmul.f32 v4, v20;
	v10 =	vmul.f32 v22, v4  }
0xc8: {  	[tilespmem:s0+$0x20] =	vst v31;
	v22 =	vld [tilespmem:s0+$0x190];
	v11 =	vmul.f32 v12, v4;
	v12 =	vmul.f32 v19, v4  }
0xc9: {  	[tilespmem:s0+$0x30] =	vst v57;
	v24 =	vld [tilespmem:s0+$0x1B0];
	v5 =	vpop (erf);
	v13 =	vmul.f32 v27, v4;
	v14 =	vmul.f32 v28, v4  }
0xca: {  	v25 =	vld [tilespmem:s0+$0x1D0];
	[tilespmem:s0+$0x0] =	vst v16;
	v16 =	vmul.f32 v5, v26;
	v15 =	vmul.f32 v5, v29  }
0xcb: {  	[tilespmem:s0+$0x10] =	vst v17;
	v18 =	vmul.f32 v5, v30;
	v17 =	vmul.f32 v58, v5;
	v26 =	vld [tilespmem:s0+$0x1E0]  }
0xcc: {  	[tilespmem:s0+$0x40] =	vst v59;
	v27 =	vld [tilespmem:s0+$0x1F0];
	v19 =	vmul.f32 v60, v5;
	v20 =	vmul.f32 v62, v5  }
0xcd: {  	[tilespmem:s0+$0x50] =	vst v23;
	v28 =	vld [tilespmem:s0+$0x200];
	v21 =	vmul.f32 v21, v5;
	v22 =	vmul.f32 v22, v5  }
0xce: {  	s12 =	simm.s32 $0xCC0;
	s11 =	simm.s32 $0x0;
	[tilespmem:s0+$0x60] =	vst v61;
	v29 =	vld [tilespmem:s0+$0x210];
	v23 =	vmul.f32 v0, v24;
	v24 =	vmul.f32 v0, v63  }
.LBB2_4:
0xcf: {  	v30 =	vld [tilespmem:s12+$0x230];
	[tilespmem:s0+$0x70] =	vst v7;
	v7 =	vmul.f32 v0, v25;
	s9 =	sadd.s32 $0x80, s9  }
0xd0: {  	s11 =	sadd.s32 $0x8, s11;
	s10 =	sadd.s32 $0x8, s10;
	v25 =	vld [tilespmem:s9+$0x30];
	[tilespmem:s0+$0x90] =	vst v8;
	v8 =	vmul.f32 v26, v0  }
0xd1: {  	p1 =	slt.u32 s11, $0x48;
	v26 =	vld.msk [tilespmem:s10+$0x3 ss:$0x0], $0xffff;
	[tilespmem:s0+$0xA0] =	vst v6;
	v6 =	vmul.f32 v27, v0  }
0xd2: {  	v27 =	vld [tilespmem:s9+$0xFFFFFFC0];
	[tilespmem:s0+$0xB0] =	vst v9;
	v9 =	vmul.f32 v28, v0  }
0xd3: {  	v28 =	vld [tilespmem:s12+$0xFFFFFED0];
	[tilespmem:s0+$0xC0] =	vst v10;
	v0 =	vmul.f32 v29, v0  }
0xd4: {  	v10 =	vld [tilespmem:s9+$0xFFFFFFD0];
	[tilespmem:s0+$0xD0] =	vst v11  }
0xd5: {  	v11 =	vld [tilespmem:s12+$0xFFFFFF60];
	v25 =	vadd.f32 v25, v30;
	[tilespmem:s0+$0xE0] =	vst v12  }
0xd6: {  	v12 =	vld [tilespmem:s9+$0xFFFFFFE0];
	[tilespmem:s0+$0xF0] =	vst v13  }
0xd7: {  	v13 =	vld [tilespmem:s12+$0xFFFFFFF0];
	v25 =	vadd.f32 v26, v25;
	[tilespmem:s0+$0x100] =	vst v14  }
0xd8: {  	v14 =	vld [tilespmem:s9+$0xFFFFFFF0];
	[tilespmem:s0+$0x120] =	vst v16  }
0xd9: {  	v10 =	vadd.f32 v10, v28;
	v16 =	vld [tilespmem:s12+$0x80];
	v26 =	vmul.f32 $9.999999770e-03, v25;
	[tilespmem:s0+$0x130] =	vst v15  }
0xda: {  	vm0 =	vgt.f32 v25, $0.0e+00;
	v15 =	vld [tilespmem:s9+$0x0];
	[tilespmem:s0+$0x140] =	vst v18  }
0xdb: {  	v11 =	vadd.f32 v12, v11;
	v12 =	vld [tilespmem:s12+$0x110];
	v18 =	vsel vm0, v25, v26;
	[tilespmem:s0+$0x150] =	vst v17  }
0xdc: {  	v17 =	vld [tilespmem:s9+$0x10];
	v18 =	vmul.f32 $1.442695020e+00, v18;
	[tilespmem:s0+$0x160] =	vst v19  }
0xdd: {  	v13 =	vadd.f32 v14, v13;
	v14 =	vld [tilespmem:s12+$0x1A0];
	[tilespmem:s0+$0x170] =	vst v20  }
0xde: {  	v19 =	vld [tilespmem:s9+$0x20];
	(erf) = vpow2.f32 v18;
	[tilespmem:s0+$0x180] =	vst v21  }
0xdf: {  	v18 =	vld [tilespmem:s12+$0xFFFFFE40];
	v15 =	vadd.f32 v15, v16;
	[tilespmem:s0+$0x190] =	vst v22  }
0xe0: {  	v16 =	vld.msk [tilespmem:s10+$0xFFFFFFFC ss:$0x0], $0xffff;
	[tilespmem:s0+$0x1B0] =	vst v23  }
0xe1: {  	v20 =	vld.msk [tilespmem:s10+$0xFFFFFFFD ss:$0x0], $0xffff;
	v12 =	vadd.f32 v17, v12;
	[tilespmem:s0+$0x1C0] =	vst v24  }
0xe2: {  	v17 =	vld.msk [tilespmem:s10+$0xFFFFFFFE ss:$0x0], $0xffff;
	[tilespmem:s0+$0x1D0] =	vst v7  }
0xe3: {  	v7 =	vadd.f32 v19, v14;
	v14 =	vld [tilespmem:s12+$0x220];
	[tilespmem:s0+$0x1E0] =	vst v8  }
0xe4: {  	v8 =	vadd.f32 v27, v18;
	v18 =	vld.msk [tilespmem:s10+$0xFFFFFFFF ss:$0x0], $0xffff;
	[tilespmem:s0+$0x1F0] =	vst v6  }
0xe5: {  	v6 =	vld.msk [tilespmem:s10+$0x0 ss:$0x0], $0xffff;
	[tilespmem:s0+$0x200] =	vst v9  }
0xe6: {  	v8 =	vadd.f32 v16, v8;
	v9 =	vld.msk [tilespmem:s10+$0x1 ss:$0x0], $0xffff;
	[tilespmem:s0+$0x210] =	vst v0  }
0xe7: {  	v10 =	vadd.f32 v20, v10;
	v16 =	vld.msk [tilespmem:s10+$0x2 ss:$0x0], $0xffff;
	v0 =	vpop (erf);
	[tilespmem:s0+$0xFFFFFF60] =	vst v1  }
0xe8: {  	v11 =	vadd.f32 v17, v11;
	v1 =	vmul.f32 $9.999999770e-03, v8;
	v19 =	vld [tilespmem:s12+$0xFFFFFDC0];
	v14 =	vmul.f32 v14, v0;
	[tilespmem:s0+$0xFFFFFFF0] =	vst v2  }
0xe9: {  	vm0 =	vgt.f32 v8, $0.0e+00;
	vm1 =	vgt.f32 v10, $0.0e+00;
	v17 =	vmul.f32 $9.999999770e-03, v10;
	v2 =	vld [tilespmem:s12+$0xFFFFFDD0];
	[tilespmem:s0+$0x80] =	vst v3  }
0xea: {  	vm2 =	vgt.f32 v11, $0.0e+00;
	v20 =	vmul.f32 $9.999999770e-03, v11;
	v13 =	vadd.f32 v18, v13;
	v3 =	vld [tilespmem:s12+$0xFFFFFDE0];
	[tilespmem:s12+$0x220] =	vst v14  }
0xeb: {  	v1 =	vsel vm0, v8, v1;
	v10 =	vsel vm1, v10, v17;
	v6 =	vadd.f32 v6, v15;
	v8 =	vld [tilespmem:s12+$0xFFFFFDF0];
	[tilespmem:s0+$0x110] =	vst v4  }
0xec: {  	vm0 =	vgt.f32 v13, $0.0e+00;
	v14 =	vmul.f32 $9.999999770e-03, v13;
	v9 =	vadd.f32 v9, v12;
	v4 =	vld [tilespmem:s12+$0xFFFFFE00];
	[tilespmem:s0+$0x1A0] =	vst v5;
	s0 =	smov.u32 s12  }
0xed: {  	vm1 =	vgt.f32 v6, $0.0e+00;
	v12 =	vmul.f32 $9.999999770e-03, v6;
	v7 =	vadd.f32 v16, v7;
	v5 =	vld [tilespmem:s12+$0xFFFFFE10];
	[tilespmem:s12+$0x230] =	vst v0  }
0xee: {  	v11 =	vsel vm2, v11, v20;
	vm2 =	vgt.f32 v9, $0.0e+00;
	v16 =	vmul.f32 $9.999999770e-03, v9;
	v15 =	vld [tilespmem:s12+$0xFFFFFE20]  }
0xef: {  	v13 =	vsel vm0, v13, v14;
	vm0 =	vgt.f32 v7, $0.0e+00;
	v14 =	vmul.f32 $9.999999770e-03, v7;
	v17 =	vld [tilespmem:s12+$0xFFFFFE30]  }
0xf0: {  	v1 =	vmul.f32 $1.442695020e+00, v1;
	v6 =	vsel vm1, v6, v12;
	v9 =	vsel vm2, v9, v16;
	v18 =	vld [tilespmem:s12+$0xFFFFFE50]  }
0xf1: {  	v10 =	vmul.f32 $1.442695020e+00, v10;
	v11 =	vmul.f32 $1.442695020e+00, v11;
	v7 =	vsel vm0, v7, v14;
	v12 =	vld [tilespmem:s12+$0xFFFFFE60]  }
0xf2: {  	v13 =	vmul.f32 $1.442695020e+00, v13;
	v6 =	vmul.f32 $1.442695020e+00, v6;
	v14 =	vld [tilespmem:s12+$0xFFFFFE70]  }
0xf3: {  	v9 =	vmul.f32 $1.442695020e+00, v9;
	v7 =	vmul.f32 $1.442695020e+00, v7;
	v16 =	vld [tilespmem:s12+$0xFFFFFE80]  }
0xf4: {  	v20 =	vld [tilespmem:s12+$0xFFFFFE90];
	(erf) = vpow2.f32 v1  }
0xf5: {  	v21 =	vld [tilespmem:s12+$0xFFFFFEA0];
	(erf) = vpow2.f32 v10  }
0xf6: {  	v10 =	vld [tilespmem:s12+$0xFFFFFEB0];
	(erf) = vpow2.f32 v11  }
0xf7: {  	v11 =	vld [tilespmem:s12+$0xFFFFFEC0];
	(erf) = vpow2.f32 v13  }
0xf8: {  	v13 =	vld [tilespmem:s12+$0xFFFFFEE0];
	(erf) = vpow2.f32 v6  }
0xf9: {  	v6 =	vld [tilespmem:s12+$0xFFFFFEF0];
	(erf) = vpow2.f32 v9  }
0xfa: {  	v9 =	vld [tilespmem:s12+$0xFFFFFF00];
	(erf) = vpow2.f32 v7  }
0xfb: {  	v7 =	vld [tilespmem:s12+$0xFFFFFF10]  }
0xfc: {  	v22 =	vld [tilespmem:s12+$0xFFFFFF20]  }
0xfd: {  	v23 =	vld [tilespmem:s12+$0xFFFFFF30];
	v24 =	vpop (erf)  }
0xfe: {  	v19 =	vmul.f32 v24, v19;
	v25 =	vmul.f32 v24, v2;
	[tilespmem:s12+$0xFFFFFE40] =	vst v24;
	v26 =	vld [tilespmem:s12+$0xFFFFFF40];
	v27 =	vpop (erf)  }
0xff: {  	v28 =	vmul.f32 v24, v3;
	v8 =	vmul.f32 v8, v24;
	[tilespmem:s12+$0xFFFFFED0] =	vst v27;
	v29 =	vld [tilespmem:s12+$0xFFFFFF50];
	v1 =	vpop (erf)  }
0x100: {  	v30 =	vmul.f32 v5, v24;
	[tilespmem:s12+$0xFFFFFDC0] =	vst v19;
	v19 =	vmul.f32 v4, v24;
	v31 =	vld [tilespmem:s12+$0xFFFFFF70];
	v2 =	vpop (erf)  }
0x101: {  	v15 =	vmul.f32 v15, v24;
	v17 =	vmul.f32 v17, v24;
	[tilespmem:s12+$0xFFFFFDD0] =	vst v25;
	v24 =	vld [tilespmem:s12+$0xFFFFFF80];
	v3 =	vpop (erf)  }
0x102: {  	v18 =	vmul.f32 v27, v18;
	v12 =	vmul.f32 v27, v12;
	[tilespmem:s12+$0xFFFFFDE0] =	vst v28;
	v25 =	vld [tilespmem:s12+$0xFFFFFF90];
	v4 =	vpop (erf)  }
0x103: {  	[tilespmem:s12+$0xFFFFFDF0] =	vst v8;
	v8 =	vmul.f32 v27, v14;
	v14 =	vmul.f32 v16, v27;
	v16 =	vld [tilespmem:s12+$0xFFFFFFA0];
	v5 =	vpop (erf)  }
0x104: {  	[tilespmem:s12+$0xFFFFFE00] =	vst v19;
	v19 =	vmul.f32 v20, v27;
	v20 =	vmul.f32 v21, v27;
	v21 =	vld [tilespmem:s12+$0xFFFFFFB0]  }
0x105: {  	v10 =	vmul.f32 v10, v27;
	v11 =	vmul.f32 v11, v27;
	[tilespmem:s12+$0xFFFFFE10] =	vst v30;
	v27 =	vld [tilespmem:s12+$0xFFFFFFC0]  }
0x106: {  	v13 =	vmul.f32 v1, v13;
	v6 =	vmul.f32 v1, v6;
	[tilespmem:s12+$0xFFFFFE20] =	vst v15;
	v15 =	vld [tilespmem:s12+$0xFFFFFFD0]  }
0x107: {  	v9 =	vmul.f32 v1, v9;
	v7 =	vmul.f32 v7, v1;
	[tilespmem:s12+$0xFFFFFE30] =	vst v17;
	v17 =	vld [tilespmem:s12+$0xFFFFFFE0]  }
0x108: {  	[tilespmem:s12+$0xFFFFFE50] =	vst v18;
	v18 =	vmul.f32 v22, v1;
	v22 =	vmul.f32 v23, v1;
	v23 =	vld [tilespmem:s12+$0x0]  }
0x109: {  	[tilespmem:s12+$0xFFFFFE60] =	vst v12;
	v12 =	vmul.f32 v26, v1;
	v26 =	vmul.f32 v29, v1;
	v28 =	vld [tilespmem:s12+$0x10]  }
0x10a: {  	v24 =	vmul.f32 v2, v24;
	v29 =	vmul.f32 v2, v31;
	[tilespmem:s12+$0xFFFFFE70] =	vst v8;
	v8 =	vld [tilespmem:s12+$0x20]  }
0x10b: {  	v16 =	vmul.f32 v16, v2;
	[tilespmem:s12+$0xFFFFFE80] =	vst v14;
	v14 =	vmul.f32 v2, v25;
	v25 =	vld [tilespmem:s12+$0x30]  }
0x10c: {  	[tilespmem:s12+$0xFFFFFE90] =	vst v19;
	v19 =	vmul.f32 v21, v2;
	v21 =	vmul.f32 v27, v2;
	v27 =	vld [tilespmem:s12+$0x40]  }
0x10d: {  	v15 =	vmul.f32 v15, v2;
	v17 =	vmul.f32 v17, v2;
	[tilespmem:s12+$0xFFFFFEA0] =	vst v20;
	v20 =	vld [tilespmem:s12+$0x50]  }
0x10e: {  	v23 =	vmul.f32 v3, v23;
	[tilespmem:s12+$0xFFFFFEB0] =	vst v10;
	v28 =	vmul.f32 v3, v28;
	v10 =	vld [tilespmem:s12+$0x60]  }
0x10f: {  	[tilespmem:s12+$0xFFFFFEC0] =	vst v11;
	v30 =	vmul.f32 v3, v8;
	v8 =	vld [tilespmem:s12+$0x70]  }
0x110: {  	[tilespmem:s12+$0xFFFFFEE0] =	vst v13;
	v31 =	vmul.f32 v25, v3;
	v11 =	vld [tilespmem:s12+$0x90]  }
0x111: {  	[tilespmem:s12+$0xFFFFFEF0] =	vst v6;
	v27 =	vmul.f32 v27, v3;
	v6 =	vld [tilespmem:s12+$0xA0]  }
0x112: {  	[tilespmem:s12+$0xFFFFFF00] =	vst v9;
	v32 =	vmul.f32 v20, v3;
	v9 =	vld [tilespmem:s12+$0xB0]  }
0x113: {  	[tilespmem:s12+$0xFFFFFF10] =	vst v7;
	v33 =	vmul.f32 v10, v3;
	v10 =	vld [tilespmem:s12+$0xC0]  }
0x114: {  	[tilespmem:s12+$0xFFFFFF20] =	vst v18;
	v7 =	vmul.f32 v8, v3;
	v13 =	vld [tilespmem:s12+$0xD0]  }
0x115: {  	[tilespmem:s12+$0xFFFFFF30] =	vst v22;
	v8 =	vmul.f32 v4, v11;
	v18 =	vld [tilespmem:s12+$0xE0]  }
0x116: {  	[tilespmem:s12+$0xFFFFFF40] =	vst v12;
	v6 =	vmul.f32 v4, v6;
	v20 =	vld [tilespmem:s12+$0xF0]  }
0x117: {  	[tilespmem:s12+$0xFFFFFF50] =	vst v26;
	v9 =	vmul.f32 v4, v9;
	v22 =	vld [tilespmem:s12+$0x100]  }
0x118: {  	[tilespmem:s12+$0xFFFFFF70] =	vst v29;
	v10 =	vmul.f32 v10, v4;
	v25 =	vld [tilespmem:s12+$0x120]  }
0x119: {  	[tilespmem:s12+$0xFFFFFF80] =	vst v24;
	v11 =	vmul.f32 v13, v4;
	v24 =	vld [tilespmem:s12+$0x130]  }
0x11a: {  	[tilespmem:s12+$0xFFFFFF90] =	vst v14;
	v12 =	vmul.f32 v18, v4;
	v18 =	vld [tilespmem:s12+$0x140]  }
0x11b: {  	[tilespmem:s12+$0xFFFFFFA0] =	vst v16;
	v13 =	vmul.f32 v20, v4;
	v20 =	vld [tilespmem:s12+$0x150]  }
0x11c: {  	[tilespmem:s12+$0xFFFFFFB0] =	vst v19;
	v14 =	vmul.f32 v22, v4;
	v19 =	vld [tilespmem:s12+$0x160]  }
0x11d: {  	[tilespmem:s12+$0xFFFFFFC0] =	vst v21;
	v16 =	vmul.f32 v5, v25;
	v21 =	vld [tilespmem:s12+$0x170]  }
0x11e: {  	[tilespmem:s12+$0xFFFFFFD0] =	vst v15;
	v15 =	vmul.f32 v5, v24;
	v22 =	vld [tilespmem:s12+$0x180]  }
0x11f: {  	[tilespmem:s12+$0xFFFFFFE0] =	vst v17;
	v18 =	vmul.f32 v5, v18;
	v24 =	vld [tilespmem:s12+$0x190]  }
0x120: {  	[tilespmem:s12+$0x0] =	vst v23;
	v17 =	vmul.f32 v20, v5;
	v23 =	vld [tilespmem:s12+$0x1B0]  }
0x121: {  	[tilespmem:s12+$0x10] =	vst v28;
	v19 =	vmul.f32 v19, v5;
	v29 =	vld [tilespmem:s12+$0x1C0]  }
.Ltmp5:
0x122: {  	[tilespmem:s12+$0x20] =	vst v30;
	v20 =	vmul.f32 v21, v5;
	v25 =	vld [tilespmem:s12+$0x1D0];
	(pc) =	sbr.rel @p1 .LBB2_4-.Ltmp5, $4  }
0x123: {  	[tilespmem:s12+$0x30] =	vst v31;
	v21 =	vmul.f32 v22, v5;
	v26 =	vld [tilespmem:s12+$0x1E0]  }
0x124: {  	[tilespmem:s12+$0x40] =	vst v27;
	v22 =	vmul.f32 v24, v5;
	v27 =	vld [tilespmem:s12+$0x1F0]  }
0x125: {  	[tilespmem:s12+$0x50] =	vst v32;
	v23 =	vmul.f32 v0, v23;
	v28 =	vld [tilespmem:s12+$0x200]  }
0x126: {  	s12 =	sadd.s32 $0x480, s12;
	[tilespmem:s0+$0x60] =	vst v33;
	v24 =	vmul.f32 v0, v29;
	v29 =	vld [tilespmem:s0+$0x210]  }
0x127: {  	[tilespmem:s0+$0x70] =	vst v7  }
0x128: {  	[tilespmem:s0+$0x90] =	vst v8  }
0x129: {  	[tilespmem:s0+$0xA0] =	vst v6  }
0x12a: {  	[tilespmem:s0+$0xB0] =	vst v9  }
0x12b: {  	[tilespmem:s0+$0xC0] =	vst v10  }
0x12c: {  	[tilespmem:s0+$0xD0] =	vst v11  }
0x12d: {  	[tilespmem:s0+$0xE0] =	vst v12  }
0x12e: {  	[tilespmem:s0+$0xF0] =	vst v13  }
0x12f: {  	[tilespmem:s0+$0x100] =	vst v14  }
0x130: {  	[tilespmem:s0+$0x120] =	vst v16  }
0x131: {  	[tilespmem:s0+$0x130] =	vst v15  }
0x132: {  	[tilespmem:s0+$0x140] =	vst v18  }
0x133: {  	[tilespmem:s0+$0x150] =	vst v17  }
0x134: {  	[tilespmem:s0+$0x160] =	vst v19  }
0x135: {  	[tilespmem:s0+$0x170] =	vst v20  }
0x136: {  	[tilespmem:s0+$0x180] =	vst v21  }
0x137: {  	[tilespmem:s0+$0x190] =	vst v22  }
0x138: {  	[tilespmem:s0+$0x1B0] =	vst v23  }
0x139: {  	[tilespmem:s0+$0xFFFFFF60] =	vst v1  }
0x13a: {  	[tilespmem:s0+$0xFFFFFFF0] =	vst v2  }
0x13b: {  	[tilespmem:s0+$0x80] =	vst v3  }
0x13c: {  	[tilespmem:s0+$0x110] =	vst v4  }
0x13d: {  	v59 =	vmul.f32 v0, v25;
	[tilespmem:s0+$0x1A0] =	vst v5  }
0x13e: {  	v60 =	vmul.f32 v26, v0;
	[tilespmem:s0+$0x1C0] =	vst v24  }
0x13f: {  	v61 =	vmul.f32 v27, v0;
	[tilespmem:s0+$0x1D0] =	vst v59  }
.Ltmp6:
0x140: {  	v62 =	vmul.f32 v28, v0;
	[tilespmem:s0+$0x1E0] =	vst v60;
	(pc) =	sbr.rel .LBB2_9-.Ltmp6, $4  }
0x141: {  	v63 =	vmul.f32 v29, v0;
	[tilespmem:s0+$0x1F0] =	vst v61  }
0x142: {  	[tilespmem:s0+$0x200] =	vst v62  }
0x143: {  	[tilespmem:s0+$0x210] =	vst v63;
	s0 =	simm.s32 $0x6  }
0x144: {  	[spmem:s2] =	stream.indirect.scatter.add.f32 [tilespmem:s20], [sflag:$0x6], $0x90, s18, s18, $0xb8;
	[tilespmem:$0x115C8] =	vst v63  }
.LBB2_6:
0x145: {  	s0 =	smul.u32 $0x50, s31;
	_ =	sdelay $0x1  }
0x146: {  	s0 =	sadd.s32 s0, s13  }
0x147: {  	s0 =	sshrl.u32 s0, $0x3  }
0x148: {  	s9 =	sadd.s32 s4, s0  }
0x149: {  	[tilespmem:s3], [sflag:$0x6] =	stream.linear.gather [hbm4b:s9+s3], $0x50, $0x38;
	[tilespmem:$0x115C8] =	vst v63  }
0x14a: {  	_ =	swait.ge [sflag:s24], $0x50  }
0x14b: {  	[sflag:s24] =	ssyncset.done $0x0  }
0x14c: {  	s14 =	sadd.s32 s1, s0;
	[sflag:s24] =	ssyncadd.s32 $0xFFFFFFB0  }
0x14d: {  	[tilespmem:s18], [sflag:$0x6] =	stream.linear.gather [hbm4b:s14+s3], $0x50, $0x38;
	[tilespmem:$0x115C8] =	vst v63  }
0x14e: {  	_ =	swait.ge [sflag:s24], $0x50  }
0x14f: {  	[sflag:s24] =	ssyncset.done $0x0  }
0x150: {  	s0 =	sadd.s32 s5, s0;
	[sflag:s24] =	ssyncadd.s32 $0xFFFFFFB0  }
0x151: {  	[tilespmem:s19], [sflag:$0x6] =	stream.linear.gather [hbm4b:s0+s3], $0x50, $0x38;
	[tilespmem:$0x115C8] =	vst v63  }
0x152: {  	_ =	swait.ge [sflag:s24], $0x50  }
0x153: {  	[sflag:s24] =	ssyncset.done $0x0  }
0x154: {  	[sflag:s24] =	ssyncadd.s32 $0xFFFFFFB0  }
0x155: {  	[tilespmem:s20], [sflag:$0x1] =	stream.indirect.gather [hbm4b:s6+s18], $0x90, s3, s18, $0xb8;
	[tilespmem:$0x115C8] =	vst v63  }
0x156: {  	_ = 	snop  }
0x157: {  	[tilespmem:s21], [sflag:$0x3] =	stream.indirect.gather [hbm4b:s8+s18], $0x10, s18, s18, $0xb8;
	[tilespmem:$0x115C8] =	vst v63  }
0x158: {  	_ =	swait.ge [sflag:s25], $0x2D00  }
0x159: {  	[sflag:s25] =	ssyncset.done $0x0  }
0x15a: {  	[sflag:s25] =	ssyncadd.s32 $0xFFFFD300  }
0x15b: {  	_ =	swait.ge [sflag:s26], $0x500  }
0x15c: {  	[sflag:s26] =	ssyncset.done $0x0  }
0x15d: {  	s0 =	simm.s32 $0x3B40;
	[sflag:s26] =	ssyncadd.s32 $0xFFFFFB00  }
0x15e: {  	s9 =	simm.s32 $0x3440;
	v0 =	vld [tilespmem:s0+$0x230]  }
0x15f: {  	s10 =	simm.s32 $0x33A4;
	v1 =	vld [tilespmem:s9+$0x30]  }
0x160: {  	v2 =	vld.msk [tilespmem:s10+$0x3 ss:$0x0], $0xffff  }
0x161: {  	v3 =	vld [tilespmem:s9+$0xFFFFFFC0]  }
0x162: {  	v4 =	vld [tilespmem:s0+$0xFFFFFED0]  }
0x163: {  	v5 =	vld [tilespmem:s9+$0xFFFFFFD0]  }
0x164: {  	v6 =	vld [tilespmem:s0+$0xFFFFFF60]  }
0x165: {  	v7 =	vld [tilespmem:s9+$0xFFFFFFE0]  }
0x166: {  	v8 =	vld [tilespmem:s0+$0xFFFFFFF0]  }
0x167: {  	v9 =	vld [tilespmem:s9+$0xFFFFFFF0]  }
0x168: {  	v10 =	vld [tilespmem:s0+$0x80]  }
0x169: {  	v11 =	vld [tilespmem:s9+$0x0]  }
0x16a: {  	v12 =	vld [tilespmem:s0+$0x110]  }
0x16b: {  	v13 =	vld [tilespmem:s9+$0x10]  }
0x16c: {  	v14 =	vld [tilespmem:s0+$0x1A0]  }
0x16d: {  	v15 =	vld [tilespmem:s9+$0x20]  }
0x16e: {  	v16 =	vld [tilespmem:s0+$0xFFFFFE40]  }
0x16f: {  	v17 =	vld.msk [tilespmem:s10+$0xFFFFFFFC ss:$0x0], $0xffff  }
0x170: {  	v18 =	vld.msk [tilespmem:s10+$0xFFFFFFFD ss:$0x0], $0xffff  }
0x171: {  	v19 =	vld.msk [tilespmem:s10+$0xFFFFFFFE ss:$0x0], $0xffff  }
0x172: {  	v20 =	vld [tilespmem:s0+$0x220]  }
0x173: {  	v21 =	vld.msk [tilespmem:s10+$0xFFFFFFFF ss:$0x0], $0xffff  }
0x174: {  	v22 =	vld.msk [tilespmem:s10+$0x0 ss:$0x0], $0xffff  }
0x175: {  	v23 =	vld.msk [tilespmem:s10+$0x1 ss:$0x0], $0xffff  }
0x176: {  	v24 =	vld.msk [tilespmem:s10+$0x2 ss:$0x0], $0xffff  }
0x177: {  	v25 =	vld [tilespmem:s0+$0xFFFFFDE0];
	v0 =	vadd.f32 v1, v0  }
0x178: {  	v27 =	vld [tilespmem:s0+$0xFFFFFE30]  }
0x179: {  	v28 =	vld [tilespmem:s0+$0xFFFFFE50];
	v3 =	vadd.f32 v3, v16;
	v0 =	vadd.f32 v2, v0  }
0x17a: {  	v29 =	vld [tilespmem:s0+$0xFFFFFE80]  }
0x17b: {  	v30 =	vld [tilespmem:s0+$0xFFFFFE90];
	v3 =	vadd.f32 v17, v3;
	v26 =	vmul.f32 $9.999999770e-03, v0  }
0x17c: {  	v31 =	vld [tilespmem:s0+$0xFFFFFEB0];
	vm0 =	vgt.f32 v0, $0.0e+00  }
0x17d: {  	v32 =	vld [tilespmem:s0+$0xFFFFFEC0];
	v0 =	vsel vm0, v0, v26;
	v26 =	vmul.f32 $9.999999770e-03, v3  }
0x17e: {  	v33 =	vld [tilespmem:s0+$0xFFFFFEE0];
	v4 =	vadd.f32 v5, v4;
	vm10 =	vgt.f32 v3, $0.0e+00;
	v0 =	vmul.f32 $1.442695020e+00, v0  }
0x17f: {  	v34 =	vld [tilespmem:s0+$0xFFFFFEF0];
	v3 =	vsel vm10, v3, v26  }
0x180: {  	v35 =	vld [tilespmem:s0+$0xFFFFFF00];
	v4 =	vadd.f32 v18, v4;
	(erf) = vpow2.f32 v0;
	v3 =	vmul.f32 $1.442695020e+00, v3  }
0x181: {  	v37 =	vld [tilespmem:s0+$0xFFFFFF40]  }
0x182: {  	v40 =	vld [tilespmem:s0+$0xFFFFFF50];
	v0 =	vmul.f32 $9.999999770e-03, v4;
	(erf) = vpow2.f32 v3  }
0x183: {  	v41 =	vld [tilespmem:s0+$0xFFFFFF70];
	vm1 =	vgt.f32 v4, $0.0e+00  }
0x184: {  	v58 =	vld [tilespmem:s0+$0x150];
	v0 =	vsel vm1, v4, v0  }
0x185: {  	v60 =	vld [tilespmem:s0+$0x160];
	v0 =	vmul.f32 $1.442695020e+00, v0  }
0x186: {  	v62 =	vld [tilespmem:s0+$0x170]  }
0x187: {  	v1 =	vld [tilespmem:s0+$0xFFFFFDC0]  }
0x188: {  	v2 =	vld [tilespmem:s0+$0xFFFFFDD0]  }
0x189: {  	v63 =	vld [tilespmem:s0+$0x1C0];
	(erf) = vpow2.f32 v0;
	v0 =	vpop (erf)  }
0x18a: {  	v5 =	vld [tilespmem:s0+$0xFFFFFE00];
	v6 =	vadd.f32 v7, v6;
	v20 =	vmul.f32 v20, v0  }
0x18b: {  	v16 =	vld [tilespmem:s0+$0xFFFFFDF0];
	[tilespmem:s0+$0x230] =	vst v0;
	v36 =	vpop (erf)  }
0x18c: {  	v7 =	vld [tilespmem:s0+$0xFFFFFF10];
	v6 =	vadd.f32 v19, v6;
	[tilespmem:s0+$0x220] =	vst v20;
	v1 =	vmul.f32 v36, v1  }
0x18d: {  	v17 =	vld [tilespmem:s0+$0xFFFFFE10];
	[tilespmem:s0+$0xFFFFFE40] =	vst v36;
	v2 =	vmul.f32 v36, v2  }
0x18e: {  	v18 =	vld [tilespmem:s0+$0xFFFFFE20];
	v39 =	vmul.f32 $9.999999770e-03, v6;
	v25 =	vmul.f32 v36, v25;
	[tilespmem:s0+$0xFFFFFDC0] =	vst v1  }
0x18f: {  	v12 =	vadd.f32 v13, v12;
	v19 =	vld [tilespmem:s0+$0xFFFFFF30];
	vm11 =	vgt.f32 v6, $0.0e+00;
	v5 =	vmul.f32 v5, v36;
	[tilespmem:s0+$0xFFFFFDD0] =	vst v2  }
0x190: {  	v10 =	vadd.f32 v11, v10;
	v4 =	vld [tilespmem:s0+$0xFFFFFE70];
	v11 =	vmul.f32 v27, v36;
	v1 =	vsel vm11, v6, v39;
	[tilespmem:s0+$0xFFFFFDE0] =	vst v25  }
0x191: {  	v12 =	vadd.f32 v23, v12;
	v23 =	vld [tilespmem:s0+$0x50];
	[tilespmem:s0+$0xFFFFFE00] =	vst v5;
	v1 =	vmul.f32 $1.442695020e+00, v1  }
0x192: {  	v3 =	vld [tilespmem:s0+$0xFFFFFEA0];
	v38 =	vpop (erf);
	v6 =	vmul.f32 v16, v36;
	v2 =	vadd.f32 v9, v8;
	[tilespmem:s0+$0xFFFFFE30] =	vst v11  }
0x193: {  	v26 =	vld [tilespmem:s0+$0xFFFFFE60];
	[tilespmem:s0+$0xFFFFFED0] =	vst v38;
	(erf) = vpow2.f32 v1;
	v1 =	vmul.f32 v18, v36  }
0x194: {  	v20 =	vld [tilespmem:s0+$0xFFFFFF20];
	v9 =	vmul.f32 v17, v36;
	[tilespmem:s0+$0xFFFFFDF0] =	vst v6;
	v2 =	vadd.f32 v21, v2  }
0x195: {  	v27 =	vld [tilespmem:s0+$0xF0];
	v4 =	vmul.f32 v38, v4;
	[tilespmem:s0+$0xFFFFFE20] =	vst v1;
	v1 =	vadd.f32 v22, v10  }
0x196: {  	v14 =	vadd.f32 v15, v14;
	v16 =	vld [tilespmem:s0+$0xFFFFFF80];
	v15 =	vmul.f32 v30, v38;
	[tilespmem:s0+$0xFFFFFE10] =	vst v9;
	v17 =	vmul.f32 $9.999999770e-03, v2  }
0x197: {  	v8 =	vld [tilespmem:s0+$0xFFFFFF90];
	v3 =	vmul.f32 v3, v38;
	[tilespmem:s0+$0xFFFFFE70] =	vst v4;
	vm12 =	vgt.f32 v2, $0.0e+00;
	v13 =	vmul.f32 $9.999999770e-03, v1  }
0x198: {  	v5 =	vld [tilespmem:s0+$0xFFFFFFB0];
	v18 =	vmul.f32 v38, v28;
	[tilespmem:s0+$0xFFFFFE90] =	vst v15;
	v2 =	vsel vm12, v2, v17;
	vm13 =	vgt.f32 v1, $0.0e+00  }
0x199: {  	v11 =	vld [tilespmem:s0+$0xFFFFFFE0];
	[tilespmem:s0+$0xFFFFFEA0] =	vst v3;
	v10 =	vmul.f32 v38, v26;
	v2 =	vmul.f32 $1.442695020e+00, v2;
	v1 =	vsel vm13, v1, v13  }
0x19a: {  	v25 =	vld [tilespmem:s0+$0x60];
	[tilespmem:s0+$0xFFFFFE50] =	vst v18;
	v22 =	vmul.f32 v32, v38  }
0x19b: {  	v6 =	vld [tilespmem:s0+$0xFFFFFFA0];
	v3 =	vadd.f32 v24, v14;
	[tilespmem:s0+$0xFFFFFE60] =	vst v10;
	(erf) = vpow2.f32 v2;
	v2 =	vmul.f32 v31, v38  }
0x19c: {  	v9 =	vld [tilespmem:s0+$0xFFFFFFC0];
	v18 =	vmul.f32 v29, v38;
	[tilespmem:s0+$0xFFFFFEC0] =	vst v22;
	v15 =	vmul.f32 $1.442695020e+00, v1;
	v1 =	vpop (erf)  }
0x19d: {  	vm14 =	vgt.f32 v12, $0.0e+00;
	v21 =	vld [tilespmem:s0+$0xFFFFFFD0];
	v22 =	vmul.f32 $9.999999770e-03, v3;
	[tilespmem:s0+$0xFFFFFEB0] =	vst v2;
	v2 =	vmul.f32 v1, v34  }
0x19e: {  	v4 =	vld [tilespmem:s0+$0x20];
	v14 =	vmul.f32 $9.999999770e-03, v12;
	vm15 =	vgt.f32 v3, $0.0e+00;
	[tilespmem:s0+$0xFFFFFE80] =	vst v18;
	v24 =	vmul.f32 v1, v33  }
0x19f: {  	v28 =	vld [tilespmem:s0+$0x100];
	(erf) = vpow2.f32 v15;
	v26 =	vmul.f32 v1, v35;
	[tilespmem:s0+$0xFFFFFEF0] =	vst v2;
	v2 =	vsel vm15, v3, v22  }
0x1a0: {  	v12 =	vsel vm14, v12, v14;
	v14 =	vld [tilespmem:s0+$0xA0];
	v7 =	vmul.f32 v7, v1;
	[tilespmem:s0+$0xFFFFFEE0] =	vst v24;
	v2 =	vmul.f32 $1.442695020e+00, v2  }
0x1a1: {  	v17 =	vld [tilespmem:s0+$0x0];
	v19 =	vmul.f32 v19, v1;
	v3 =	vmul.f32 $1.442695020e+00, v12;
	[tilespmem:s0+$0xFFFFFF00] =	vst v26  }
0x1a2: {  	v10 =	vld [tilespmem:s0+$0x10];
	v12 =	vmul.f32 v20, v1;
	[tilespmem:s0+$0xFFFFFF10] =	vst v7  }
0x1a3: {  	v18 =	vld [tilespmem:s0+$0x30];
	v7 =	vmul.f32 v40, v1;
	[tilespmem:s0+$0xFFFFFF30] =	vst v19;
	(erf) = vpow2.f32 v3  }
0x1a4: {  	v13 =	vld [tilespmem:s0+$0x40];
	v3 =	vmul.f32 v37, v1;
	[tilespmem:s0+$0xFFFFFF20] =	vst v12;
	(erf) = vpow2.f32 v2;
	v2 =	vpop (erf)  }
0x1a5: {  	v15 =	vld [tilespmem:s0+$0x70];
	[tilespmem:s0+$0xFFFFFF50] =	vst v7;
	v26 =	vmul.f32 v2, v41;
	v16 =	vmul.f32 v2, v16  }
0x1a6: {  	v24 =	vld [tilespmem:s0+$0x90];
	[tilespmem:s0+$0xFFFFFF40] =	vst v3;
	v8 =	vmul.f32 v2, v8;
	v6 =	vmul.f32 v6, v2  }
0x1a7: {  	v20 =	vld [tilespmem:s0+$0xB0];
	v5 =	vmul.f32 v5, v2;
	v9 =	vmul.f32 v9, v2;
	[tilespmem:s0+$0xFFFFFF70] =	vst v26  }
0x1a8: {  	v22 =	vld [tilespmem:s0+$0xC0];
	v3 =	vpop (erf);
	v21 =	vmul.f32 v21, v2;
	v11 =	vmul.f32 v11, v2;
	[tilespmem:s0+$0xFFFFFF80] =	vst v16  }
0x1a9: {  	v19 =	vld [tilespmem:s0+$0xE0];
	v31 =	vmul.f32 v3, v4;
	v57 =	vmul.f32 v18, v3;
	[tilespmem:s0+$0xFFFFFF90] =	vst v8  }
0x1aa: {  	v12 =	vld [tilespmem:s0+$0xD0];
	v59 =	vmul.f32 v13, v3;
	v23 =	vmul.f32 v23, v3;
	[tilespmem:s0+$0xFFFFFFA0] =	vst v6  }
0x1ab: {  	v29 =	vld [tilespmem:s0+$0x130];
	v61 =	vmul.f32 v25, v3;
	v7 =	vmul.f32 v15, v3;
	[tilespmem:s0+$0xFFFFFFB0] =	vst v5  }
0x1ac: {  	v26 =	vld [tilespmem:s0+$0x120];
	v16 =	vmul.f32 v3, v17;
	v17 =	vmul.f32 v3, v10;
	[tilespmem:s0+$0xFFFFFFC0] =	vst v9;
	v4 =	vpop (erf)  }
0x1ad: {  	v30 =	vld [tilespmem:s0+$0x140];
	[tilespmem:s0+$0xFFFFFFD0] =	vst v21;
	v8 =	vmul.f32 v4, v24;
	v6 =	vmul.f32 v4, v14  }
0x1ae: {  	v21 =	vld [tilespmem:s0+$0x180];
	[tilespmem:s0+$0xFFFFFFE0] =	vst v11;
	v9 =	vmul.f32 v4, v20;
	v10 =	vmul.f32 v22, v4  }
0x1af: {  	[tilespmem:s0+$0x20] =	vst v31;
	v22 =	vld [tilespmem:s0+$0x190];
	v11 =	vmul.f32 v12, v4;
	v12 =	vmul.f32 v19, v4  }
0x1b0: {  	[tilespmem:s0+$0x30] =	vst v57;
	v24 =	vld [tilespmem:s0+$0x1B0];
	v5 =	vpop (erf);
	v13 =	vmul.f32 v27, v4;
	v14 =	vmul.f32 v28, v4  }
0x1b1: {  	v25 =	vld [tilespmem:s0+$0x1D0];
	[tilespmem:s0+$0x0] =	vst v16;
	v16 =	vmul.f32 v5, v26;
	v15 =	vmul.f32 v5, v29  }
0x1b2: {  	[tilespmem:s0+$0x10] =	vst v17;
	v18 =	vmul.f32 v5, v30;
	v17 =	vmul.f32 v58, v5;
	v26 =	vld [tilespmem:s0+$0x1E0]  }
0x1b3: {  	[tilespmem:s0+$0x40] =	vst v59;
	v27 =	vld [tilespmem:s0+$0x1F0];
	v19 =	vmul.f32 v60, v5;
	v20 =	vmul.f32 v62, v5  }
0x1b4: {  	[tilespmem:s0+$0x50] =	vst v23;
	v28 =	vld [tilespmem:s0+$0x200];
	v21 =	vmul.f32 v21, v5;
	v22 =	vmul.f32 v22, v5  }
0x1b5: {  	s11 =	simm.s32 $0x0;
	s12 =	simm.s32 $0x3FC0;
	[tilespmem:s0+$0x60] =	vst v61;
	v29 =	vld [tilespmem:s0+$0x210];
	v23 =	vmul.f32 v0, v24;
	v24 =	vmul.f32 v0, v63  }
.LBB2_7:
0x1b6: {  	v30 =	vld [tilespmem:s12+$0x230];
	[tilespmem:s0+$0x70] =	vst v7;
	v7 =	vmul.f32 v0, v25;
	s9 =	sadd.s32 $0x80, s9  }
0x1b7: {  	s11 =	sadd.s32 $0x8, s11;
	s10 =	sadd.s32 $0x8, s10;
	v25 =	vld [tilespmem:s9+$0x30];
	[tilespmem:s0+$0x90] =	vst v8;
	v8 =	vmul.f32 v26, v0  }
0x1b8: {  	p1 =	slt.u32 s11, $0x48;
	v26 =	vld.msk [tilespmem:s10+$0x3 ss:$0x0], $0xffff;
	[tilespmem:s0+$0xA0] =	vst v6;
	v6 =	vmul.f32 v27, v0  }
0x1b9: {  	v27 =	vld [tilespmem:s9+$0xFFFFFFC0];
	[tilespmem:s0+$0xB0] =	vst v9;
	v9 =	vmul.f32 v28, v0  }
0x1ba: {  	v0 =	vmul.f32 v29, v0;
	v28 =	vld [tilespmem:s12+$0xFFFFFED0];
	[tilespmem:s0+$0xC0] =	vst v10  }
0x1bb: {  	v10 =	vld [tilespmem:s9+$0xFFFFFFD0];
	[tilespmem:s0+$0xD0] =	vst v11  }
0x1bc: {  	v11 =	vld [tilespmem:s12+$0xFFFFFF60];
	v25 =	vadd.f32 v25, v30;
	[tilespmem:s0+$0xE0] =	vst v12  }
0x1bd: {  	v12 =	vld [tilespmem:s9+$0xFFFFFFE0];
	[tilespmem:s0+$0xF0] =	vst v13  }
0x1be: {  	v13 =	vld [tilespmem:s12+$0xFFFFFFF0];
	v25 =	vadd.f32 v26, v25;
	[tilespmem:s0+$0x100] =	vst v14  }
0x1bf: {  	v14 =	vld [tilespmem:s9+$0xFFFFFFF0];
	[tilespmem:s0+$0x120] =	vst v16  }
0x1c0: {  	v10 =	vadd.f32 v10, v28;
	v16 =	vld [tilespmem:s12+$0x80];
	v26 =	vmul.f32 $9.999999770e-03, v25;
	[tilespmem:s0+$0x130] =	vst v15  }
0x1c1: {  	vm0 =	vgt.f32 v25, $0.0e+00;
	v15 =	vld [tilespmem:s9+$0x0];
	[tilespmem:s0+$0x140] =	vst v18  }
0x1c2: {  	v11 =	vadd.f32 v12, v11;
	v12 =	vld [tilespmem:s12+$0x110];
	v18 =	vsel vm0, v25, v26;
	[tilespmem:s0+$0x150] =	vst v17  }
0x1c3: {  	v17 =	vld [tilespmem:s9+$0x10];
	v18 =	vmul.f32 $1.442695020e+00, v18;
	[tilespmem:s0+$0x160] =	vst v19  }
0x1c4: {  	v13 =	vadd.f32 v14, v13;
	v14 =	vld [tilespmem:s12+$0x1A0];
	[tilespmem:s0+$0x170] =	vst v20  }
0x1c5: {  	v19 =	vld [tilespmem:s9+$0x20];
	(erf) = vpow2.f32 v18;
	[tilespmem:s0+$0x180] =	vst v21  }
0x1c6: {  	v18 =	vld [tilespmem:s12+$0xFFFFFE40];
	v15 =	vadd.f32 v15, v16;
	[tilespmem:s0+$0x190] =	vst v22  }
0x1c7: {  	v16 =	vld.msk [tilespmem:s10+$0xFFFFFFFC ss:$0x0], $0xffff;
	[tilespmem:s0+$0x1B0] =	vst v23  }
0x1c8: {  	v20 =	vld.msk [tilespmem:s10+$0xFFFFFFFD ss:$0x0], $0xffff;
	v12 =	vadd.f32 v17, v12;
	[tilespmem:s0+$0x1C0] =	vst v24  }
0x1c9: {  	v17 =	vld.msk [tilespmem:s10+$0xFFFFFFFE ss:$0x0], $0xffff;
	[tilespmem:s0+$0x1D0] =	vst v7  }
0x1ca: {  	v7 =	vadd.f32 v19, v14;
	v14 =	vld [tilespmem:s12+$0x220];
	[tilespmem:s0+$0x1E0] =	vst v8  }
0x1cb: {  	v8 =	vadd.f32 v27, v18;
	v18 =	vld.msk [tilespmem:s10+$0xFFFFFFFF ss:$0x0], $0xffff;
	[tilespmem:s0+$0x1F0] =	vst v6  }
0x1cc: {  	v6 =	vld.msk [tilespmem:s10+$0x0 ss:$0x0], $0xffff;
	[tilespmem:s0+$0x200] =	vst v9  }
0x1cd: {  	v8 =	vadd.f32 v16, v8;
	v9 =	vld.msk [tilespmem:s10+$0x1 ss:$0x0], $0xffff;
	[tilespmem:s0+$0x210] =	vst v0  }
0x1ce: {  	v10 =	vadd.f32 v20, v10;
	v16 =	vld.msk [tilespmem:s10+$0x2 ss:$0x0], $0xffff;
	v0 =	vpop (erf);
	[tilespmem:s0+$0xFFFFFF60] =	vst v1  }
0x1cf: {  	v11 =	vadd.f32 v17, v11;
	v1 =	vmul.f32 $9.999999770e-03, v8;
	v19 =	vld [tilespmem:s12+$0xFFFFFDC0];
	v14 =	vmul.f32 v14, v0;
	[tilespmem:s0+$0xFFFFFFF0] =	vst v2  }
0x1d0: {  	vm0 =	vgt.f32 v8, $0.0e+00;
	vm1 =	vgt.f32 v10, $0.0e+00;
	v17 =	vmul.f32 $9.999999770e-03, v10;
	v2 =	vld [tilespmem:s12+$0xFFFFFDD0];
	[tilespmem:s0+$0x80] =	vst v3  }
0x1d1: {  	vm2 =	vgt.f32 v11, $0.0e+00;
	v20 =	vmul.f32 $9.999999770e-03, v11;
	v13 =	vadd.f32 v18, v13;
	v3 =	vld [tilespmem:s12+$0xFFFFFDE0];
	[tilespmem:s12+$0x220] =	vst v14  }
0x1d2: {  	v1 =	vsel vm0, v8, v1;
	v10 =	vsel vm1, v10, v17;
	v6 =	vadd.f32 v6, v15;
	v8 =	vld [tilespmem:s12+$0xFFFFFDF0];
	[tilespmem:s0+$0x110] =	vst v4  }
0x1d3: {  	vm0 =	vgt.f32 v13, $0.0e+00;
	v14 =	vmul.f32 $9.999999770e-03, v13;
	v9 =	vadd.f32 v9, v12;
	v4 =	vld [tilespmem:s12+$0xFFFFFE00];
	[tilespmem:s0+$0x1A0] =	vst v5;
	s0 =	smov.u32 s12  }
0x1d4: {  	vm1 =	vgt.f32 v6, $0.0e+00;
	v12 =	vmul.f32 $9.999999770e-03, v6;
	v7 =	vadd.f32 v16, v7;
	v5 =	vld [tilespmem:s12+$0xFFFFFE10];
	[tilespmem:s12+$0x230] =	vst v0  }
0x1d5: {  	v11 =	vsel vm2, v11, v20;
	vm2 =	vgt.f32 v9, $0.0e+00;
	v16 =	vmul.f32 $9.999999770e-03, v9;
	v15 =	vld [tilespmem:s12+$0xFFFFFE20]  }
0x1d6: {  	v13 =	vsel vm0, v13, v14;
	vm0 =	vgt.f32 v7, $0.0e+00;
	v14 =	vmul.f32 $9.999999770e-03, v7;
	v17 =	vld [tilespmem:s12+$0xFFFFFE30]  }
0x1d7: {  	v1 =	vmul.f32 $1.442695020e+00, v1;
	v6 =	vsel vm1, v6, v12;
	v9 =	vsel vm2, v9, v16;
	v18 =	vld [tilespmem:s12+$0xFFFFFE50]  }
0x1d8: {  	v10 =	vmul.f32 $1.442695020e+00, v10;
	v11 =	vmul.f32 $1.442695020e+00, v11;
	v7 =	vsel vm0, v7, v14;
	v12 =	vld [tilespmem:s12+$0xFFFFFE60]  }
0x1d9: {  	v13 =	vmul.f32 $1.442695020e+00, v13;
	v6 =	vmul.f32 $1.442695020e+00, v6;
	v14 =	vld [tilespmem:s12+$0xFFFFFE70]  }
0x1da: {  	v9 =	vmul.f32 $1.442695020e+00, v9;
	v7 =	vmul.f32 $1.442695020e+00, v7;
	v16 =	vld [tilespmem:s12+$0xFFFFFE80]  }
0x1db: {  	v20 =	vld [tilespmem:s12+$0xFFFFFE90];
	(erf) = vpow2.f32 v1  }
0x1dc: {  	v21 =	vld [tilespmem:s12+$0xFFFFFEA0];
	(erf) = vpow2.f32 v10  }
0x1dd: {  	v10 =	vld [tilespmem:s12+$0xFFFFFEB0];
	(erf) = vpow2.f32 v11  }
0x1de: {  	v11 =	vld [tilespmem:s12+$0xFFFFFEC0];
	(erf) = vpow2.f32 v13  }
0x1df: {  	v13 =	vld [tilespmem:s12+$0xFFFFFEE0];
	(erf) = vpow2.f32 v6  }
0x1e0: {  	v6 =	vld [tilespmem:s12+$0xFFFFFEF0];
	(erf) = vpow2.f32 v9  }
0x1e1: {  	v9 =	vld [tilespmem:s12+$0xFFFFFF00];
	(erf) = vpow2.f32 v7  }
0x1e2: {  	v7 =	vld [tilespmem:s12+$0xFFFFFF10]  }
0x1e3: {  	v22 =	vld [tilespmem:s12+$0xFFFFFF20]  }
0x1e4: {  	v23 =	vld [tilespmem:s12+$0xFFFFFF30];
	v24 =	vpop (erf)  }
0x1e5: {  	v19 =	vmul.f32 v24, v19;
	v25 =	vmul.f32 v24, v2;
	[tilespmem:s12+$0xFFFFFE40] =	vst v24;
	v26 =	vld [tilespmem:s12+$0xFFFFFF40];
	v27 =	vpop (erf)  }
0x1e6: {  	v28 =	vmul.f32 v24, v3;
	v8 =	vmul.f32 v8, v24;
	[tilespmem:s12+$0xFFFFFED0] =	vst v27;
	v29 =	vld [tilespmem:s12+$0xFFFFFF50];
	v1 =	vpop (erf)  }
0x1e7: {  	v30 =	vmul.f32 v5, v24;
	[tilespmem:s12+$0xFFFFFDC0] =	vst v19;
	v19 =	vmul.f32 v4, v24;
	v31 =	vld [tilespmem:s12+$0xFFFFFF70];
	v2 =	vpop (erf)  }
0x1e8: {  	v15 =	vmul.f32 v15, v24;
	v17 =	vmul.f32 v17, v24;
	[tilespmem:s12+$0xFFFFFDD0] =	vst v25;
	v24 =	vld [tilespmem:s12+$0xFFFFFF80];
	v3 =	vpop (erf)  }
0x1e9: {  	v18 =	vmul.f32 v27, v18;
	v12 =	vmul.f32 v27, v12;
	[tilespmem:s12+$0xFFFFFDE0] =	vst v28;
	v25 =	vld [tilespmem:s12+$0xFFFFFF90];
	v4 =	vpop (erf)  }
0x1ea: {  	[tilespmem:s12+$0xFFFFFDF0] =	vst v8;
	v8 =	vmul.f32 v27, v14;
	v14 =	vmul.f32 v16, v27;
	v16 =	vld [tilespmem:s12+$0xFFFFFFA0];
	v5 =	vpop (erf)  }
0x1eb: {  	[tilespmem:s12+$0xFFFFFE00] =	vst v19;
	v19 =	vmul.f32 v20, v27;
	v20 =	vmul.f32 v21, v27;
	v21 =	vld [tilespmem:s12+$0xFFFFFFB0]  }
0x1ec: {  	v10 =	vmul.f32 v10, v27;
	v11 =	vmul.f32 v11, v27;
	[tilespmem:s12+$0xFFFFFE10] =	vst v30;
	v27 =	vld [tilespmem:s12+$0xFFFFFFC0]  }
0x1ed: {  	v13 =	vmul.f32 v1, v13;
	v6 =	vmul.f32 v1, v6;
	[tilespmem:s12+$0xFFFFFE20] =	vst v15;
	v15 =	vld [tilespmem:s12+$0xFFFFFFD0]  }
0x1ee: {  	v9 =	vmul.f32 v1, v9;
	v7 =	vmul.f32 v7, v1;
	[tilespmem:s12+$0xFFFFFE30] =	vst v17;
	v17 =	vld [tilespmem:s12+$0xFFFFFFE0]  }
0x1ef: {  	[tilespmem:s12+$0xFFFFFE50] =	vst v18;
	v18 =	vmul.f32 v22, v1;
	v22 =	vmul.f32 v23, v1;
	v23 =	vld [tilespmem:s12+$0x0]  }
0x1f0: {  	[tilespmem:s12+$0xFFFFFE60] =	vst v12;
	v12 =	vmul.f32 v26, v1;
	v26 =	vmul.f32 v29, v1;
	v28 =	vld [tilespmem:s12+$0x10]  }
0x1f1: {  	v24 =	vmul.f32 v2, v24;
	v29 =	vmul.f32 v2, v31;
	[tilespmem:s12+$0xFFFFFE70] =	vst v8;
	v8 =	vld [tilespmem:s12+$0x20]  }
0x1f2: {  	v16 =	vmul.f32 v16, v2;
	[tilespmem:s12+$0xFFFFFE80] =	vst v14;
	v14 =	vmul.f32 v2, v25;
	v25 =	vld [tilespmem:s12+$0x30]  }
0x1f3: {  	[tilespmem:s12+$0xFFFFFE90] =	vst v19;
	v19 =	vmul.f32 v21, v2;
	v21 =	vmul.f32 v27, v2;
	v27 =	vld [tilespmem:s12+$0x40]  }
0x1f4: {  	v15 =	vmul.f32 v15, v2;
	v17 =	vmul.f32 v17, v2;
	[tilespmem:s12+$0xFFFFFEA0] =	vst v20;
	v20 =	vld [tilespmem:s12+$0x50]  }
0x1f5: {  	v23 =	vmul.f32 v3, v23;
	[tilespmem:s12+$0xFFFFFEB0] =	vst v10;
	v28 =	vmul.f32 v3, v28;
	v10 =	vld [tilespmem:s12+$0x60]  }
0x1f6: {  	[tilespmem:s12+$0xFFFFFEC0] =	vst v11;
	v30 =	vmul.f32 v3, v8;
	v8 =	vld [tilespmem:s12+$0x70]  }
0x1f7: {  	[tilespmem:s12+$0xFFFFFEE0] =	vst v13;
	v31 =	vmul.f32 v25, v3;
	v11 =	vld [tilespmem:s12+$0x90]  }
0x1f8: {  	[tilespmem:s12+$0xFFFFFEF0] =	vst v6;
	v27 =	vmul.f32 v27, v3;
	v6 =	vld [tilespmem:s12+$0xA0]  }
0x1f9: {  	[tilespmem:s12+$0xFFFFFF00] =	vst v9;
	v32 =	vmul.f32 v20, v3;
	v9 =	vld [tilespmem:s12+$0xB0]  }
0x1fa: {  	[tilespmem:s12+$0xFFFFFF10] =	vst v7;
	v33 =	vmul.f32 v10, v3;
	v10 =	vld [tilespmem:s12+$0xC0]  }
0x1fb: {  	[tilespmem:s12+$0xFFFFFF20] =	vst v18;
	v7 =	vmul.f32 v8, v3;
	v13 =	vld [tilespmem:s12+$0xD0]  }
0x1fc: {  	[tilespmem:s12+$0xFFFFFF30] =	vst v22;
	v8 =	vmul.f32 v4, v11;
	v18 =	vld [tilespmem:s12+$0xE0]  }
0x1fd: {  	[tilespmem:s12+$0xFFFFFF40] =	vst v12;
	v6 =	vmul.f32 v4, v6;
	v20 =	vld [tilespmem:s12+$0xF0]  }
0x1fe: {  	[tilespmem:s12+$0xFFFFFF50] =	vst v26;
	v9 =	vmul.f32 v4, v9;
	v22 =	vld [tilespmem:s12+$0x100]  }
0x1ff: {  	[tilespmem:s12+$0xFFFFFF70] =	vst v29;
	v10 =	vmul.f32 v10, v4;
	v25 =	vld [tilespmem:s12+$0x120]  }
0x200: {  	[tilespmem:s12+$0xFFFFFF80] =	vst v24;
	v11 =	vmul.f32 v13, v4;
	v24 =	vld [tilespmem:s12+$0x130]  }
0x201: {  	[tilespmem:s12+$0xFFFFFF90] =	vst v14;
	v12 =	vmul.f32 v18, v4;
	v18 =	vld [tilespmem:s12+$0x140]  }
0x202: {  	[tilespmem:s12+$0xFFFFFFA0] =	vst v16;
	v13 =	vmul.f32 v20, v4;
	v20 =	vld [tilespmem:s12+$0x150]  }
0x203: {  	[tilespmem:s12+$0xFFFFFFB0] =	vst v19;
	v14 =	vmul.f32 v22, v4;
	v19 =	vld [tilespmem:s12+$0x160]  }
0x204: {  	[tilespmem:s12+$0xFFFFFFC0] =	vst v21;
	v16 =	vmul.f32 v5, v25;
	v21 =	vld [tilespmem:s12+$0x170]  }
0x205: {  	[tilespmem:s12+$0xFFFFFFD0] =	vst v15;
	v15 =	vmul.f32 v5, v24;
	v22 =	vld [tilespmem:s12+$0x180]  }
0x206: {  	[tilespmem:s12+$0xFFFFFFE0] =	vst v17;
	v18 =	vmul.f32 v5, v18;
	v24 =	vld [tilespmem:s12+$0x190]  }
0x207: {  	[tilespmem:s12+$0x0] =	vst v23;
	v17 =	vmul.f32 v20, v5;
	v23 =	vld [tilespmem:s12+$0x1B0]  }
0x208: {  	[tilespmem:s12+$0x10] =	vst v28;
	v19 =	vmul.f32 v19, v5;
	v29 =	vld [tilespmem:s12+$0x1C0]  }
.Ltmp7:
0x209: {  	[tilespmem:s12+$0x20] =	vst v30;
	v20 =	vmul.f32 v21, v5;
	v25 =	vld [tilespmem:s12+$0x1D0];
	(pc) =	sbr.rel @p1 .LBB2_7-.Ltmp7, $4  }
0x20a: {  	[tilespmem:s12+$0x30] =	vst v31;
	v21 =	vmul.f32 v22, v5;
	v26 =	vld [tilespmem:s12+$0x1E0]  }
0x20b: {  	[tilespmem:s12+$0x40] =	vst v27;
	v22 =	vmul.f32 v24, v5;
	v27 =	vld [tilespmem:s12+$0x1F0]  }
0x20c: {  	[tilespmem:s12+$0x50] =	vst v32;
	v23 =	vmul.f32 v0, v23;
	v28 =	vld [tilespmem:s12+$0x200]  }
0x20d: {  	s12 =	sadd.s32 $0x480, s12;
	[tilespmem:s0+$0x60] =	vst v33;
	v24 =	vmul.f32 v0, v29;
	v29 =	vld [tilespmem:s0+$0x210]  }
.Ltmp8:
0x20e: {  	_ = 	snop;
	(pc) =	sbr.rel .LBB2_8-.Ltmp8, $1  }
0x20f: {  	_ =	sdelay $0x3  }
.LBB2_11:
0x210: {  	_ =	sfence.sel $0x180000  }
0x211: {  	[bflag:$0x0] =	sbarrier.arrive $0xFFFF  }
0x212: {  	_ =	strace $0x90000047  }
0x213: {  	[bflag:$0x2] =	sbarrier.arrive $0xFFFF  }
0x214: {  	s0 =	rddreg [dreg:$0x3]  }
0x215: {  	s0 =	sadd.s32 @!p0 $0x100000, s0  }
0x216: {  	[sflag:s0] =	ssyncadd.tile.s32 @!p0 $0x1;
	_ =	shalt  }
.Lfunc_end2:
_tile_overlayer_lowered:
.L_overlay_start_2:
0x217: {  	(tag) =	ssettag $0x2  }
0x218: {  	s0 =	rddreg [dreg:$0x0];
	s2 =	stileid.u32  }
0x219: {  	s1 =	rddreg [dreg:$0x1];
	p0 =	sne.s32 s2, $0x0  }
0x21a: {  	s3 =	rddreg [dreg:$0x2];
	[bflag:$0x3] =	sbarrier.arrive $0xFFFF;
	s2 =	simm.s32 @!p0 $0x1C05  }
0x21b: {  	[timem:s3], [sflag:s2] =	dma.local @!p0 [hbm:s0], s1  }
0x21c: {  	s0 =	simm.s32 @!p0 $0x5  }
0x21d: {  	_ =	swait.ge @!p0 [sflag:s0], s1  }
0x21e: {  	s1 =	ssub.s32 @!p0 $0x0, s1;
	[sflag:s0] =	ssyncset.done @!p0 $0x0  }
0x21f: {  	[sflag:s0] =	ssyncadd.s32 @!p0 s1  }
0x220: {  	[bflag:$0x3] =	sbarrier.arrive $0xFFFF  }
0x221: {  	_ =	shalt  }

</sc_bundles>
